<compile_context>
chip_gen: v7x
topology: tpu7x:2x2x1
jax: 0.10.2.dev20260603
libtpu: 0.0.44.dev20260713+nightly
codegen_flags: <defaults>
</compile_context>

<pallas_src>
import functools

import jax
import jax.numpy as jnp
import numpy as np
from jax import lax
from jax.experimental import pallas as pl
from jax.experimental.pallas import tpu as pltpu
from jax.experimental.pallas import tpu_sc as plsc

N = 10000
E = 320000
C = 128
H = 8
NB = 4
L = 3
EPS = 1e-5

NPAD = 10240
RPT = NPAD // 16
K = 128
CH_MAIN = 80
CH_DEG = 80
EPAD = CH_MAIN * K * 32
F = 192
BR = 640
GRID = NPAD // BR

_mesh = plsc.VectorSubcoreMesh(core_axis_name="c", subcore_axis_name="s")



@functools.partial(
    pl.kernel,
    out_type=jax.ShapeDtypeStruct((32, NPAD), jnp.float32),
    mesh=_mesh,
    scratch_types=[
        pltpu.VMEM((CH_DEG, K), jnp.int32),
        pltpu.VMEM((NPAD,), jnp.float32),
    ],
    compiler_params=pltpu.CompilerParams(needs_layout_passes=False),
)
def _deg_pass(cols_hbm, out_hbm, idx_v, acc_v):
    c = lax.axis_index("c")
    s = lax.axis_index("s")
    w = c * 16 + s
    pltpu.sync_copy(cols_hbm.at[w], idx_v)

    def zbody(j, carry):
        acc_v[pl.ds(j * 16, 16)] = jnp.zeros((16,), jnp.float32)
        return carry

    lax.fori_loop(0, NPAD // 16, zbody, 0)
    ones = jnp.ones((16,), jnp.float32)

    def body(j, carry):
        for t in range(K // 16):
            idx16 = idx_v[j, pl.ds(t * 16, 16)]
            plsc.addupdate_scatter(acc_v, [idx16], ones)
        return carry

    lax.fori_loop(0, CH_DEG, body, 0)
    pltpu.sync_copy(acc_v, out_hbm.at[w])



@functools.partial(
    pl.kernel,
    out_type=jax.ShapeDtypeStruct((2, NPAD, C), jnp.float32),
    mesh=_mesh,
    scratch_types=[
        pltpu.VMEM((CH_MAIN // 2, K), jnp.int32),
        pltpu.VMEM((CH_MAIN // 2, K), jnp.int32),
        pltpu.VMEM((K, C), jnp.float32),
        pltpu.VMEM((K, C), jnp.float32),
        pltpu.SemaphoreType.DMA,
        pltpu.SemaphoreType.DMA,
        pltpu.VMEM_SHARED((NPAD, C), jnp.float32),
    ],
)
def _scatter_pass(rows_hbm, cols_hbm, table_hbm, out_hbm,
                  rid_v, cid_v, buf0, buf1, sem0, sem1, acc_sh):
    c = lax.axis_index("c")
    s = lax.axis_index("s")
    segch = CH_MAIN // 2
    pltpu.sync_copy(table_hbm.at[pl.ds(c * NPAD + s * RPT, RPT)],
                    acc_sh.at[pl.ds(s * RPT, RPT)])
    plsc.subcore_barrier()

    def body(j, carry):
        j2 = j * 2
        pltpu.make_async_copy(table_hbm.at[rid_v.at[j2]], buf0, sem0).wait()
        pltpu.sync_copy(buf0, acc_sh.at[cid_v.at[j2]], add=True)
        pltpu.async_copy(table_hbm.at[rid_v.at[j2 + 2]], buf0, sem0)
        pltpu.make_async_copy(table_hbm.at[rid_v.at[j2 + 1]], buf1, sem1).wait()
        pltpu.sync_copy(buf1, acc_sh.at[cid_v.at[j2 + 1]], add=True)
        pltpu.async_copy(table_hbm.at[rid_v.at[j2 + 3]], buf1, sem1)
        return carry

    for seg in range(2):
        pltpu.sync_copy(rows_hbm.at[c, s, pl.ds(seg * segch, segch)], rid_v)
        pltpu.sync_copy(cols_hbm.at[c, s, pl.ds(seg * segch, segch)], cid_v)
        pltpu.async_copy(table_hbm.at[rid_v.at[0]], buf0, sem0)
        pltpu.async_copy(table_hbm.at[rid_v.at[1]], buf1, sem1)
        lax.fori_loop(0, segch // 2 - 1, body, 0)
        last = segch - 2
        pltpu.make_async_copy(table_hbm.at[rid_v.at[last]], buf0, sem0).wait()
        pltpu.sync_copy(buf0, acc_sh.at[cid_v.at[last]], add=True)
        pltpu.make_async_copy(table_hbm.at[rid_v.at[last + 1]], buf1, sem1).wait()
        pltpu.sync_copy(buf1, acc_sh.at[cid_v.at[last + 1]], add=True)
    plsc.subcore_barrier()
    pltpu.sync_copy(acc_sh.at[pl.ds(s * RPT, RPT)], out_hbm.at[c, pl.ds(s * RPT, RPT)])



def _prep_body(deg_ref, data_ref, xs_ref, dis_ref):
    dp = deg_ref[...]
    dis = lax.rsqrt(jnp.sum(dp, axis=0) + 1.0)
    d2 = dis[:, None]
    xs = data_ref[...] * d2
    xs_ref[...] = jnp.stack([xs, xs], axis=0)
    dis_ref[...] = d2


def _h_body(acc_ref, dis_ref, data_ref, wbt_ref, wc_ref, bc_ref, rm_ref,
            tm_ref, cb_ref, h_ref, psum_ref, psumsq_ref):
    i = pl.program_id(0)
    a = acc_ref[...]
    d2 = dis_ref[...]
    x = data_ref[...]
    sagg = a[0] + a[1] - x * d2
    agg = d2 * jnp.dot(sagg, wbt_ref[...], preferred_element_type=jnp.float32)
    w = jnp.dot(x, wc_ref[...], preferred_element_type=jnp.float32) + bc_ref[...]
    h = None
    for b in range(NB):
        t = (jnp.dot(w, rm_ref[b], preferred_element_type=jnp.float32)
             * jnp.dot(agg, tm_ref[b], preferred_element_type=jnp.float32))
        h = t if h is None else h + t
    h = h + cb_ref[...]
    h_ref[...] = h
    rowid = lax.broadcasted_iota(jnp.int32, (BR, 1), 0) + i * BR
    hm = jnp.where(rowid < N, h, 0.0)
    psum_ref[...] = jnp.sum(hm, axis=0, keepdims=True)[None]
    psumsq_ref[...] = jnp.sum(hm * hm, axis=0, keepdims=True)[None]


def _out_body(h_ref, data_ref, scale_ref, shift_ref, fcd_ref, fch_ref, fcb_ref,
              out_ref):
    hn = jnp.maximum(h_ref[...] * scale_ref[...] + shift_ref[...], 0.0)
    out_ref[...] = (jnp.dot(data_ref[...], fcd_ref[...], preferred_element_type=jnp.float32)
                    + jnp.dot(hn, fch_ref[...], preferred_element_type=jnp.float32)
                    + fcb_ref[...])


def _full(shape):
    return pl.BlockSpec(shape, lambda i: tuple(0 for _ in shape))


def _make_masks():
    rm = np.zeros((NB, 96, 384), np.float32)
    tm = np.zeros((NB, F, 384), np.float32)
    for i in range(L):
        for b in range(NB):
            for h in range(H):
                rm[b, 32 * i + 4 * h + b, 128 * i + 16 * h:128 * i + 16 * h + 16] = 1.0
                for cc in range(16):
                    tm[b, 64 * i + 16 * b + cc, 128 * i + 16 * h + cc] = 1.0
    return jnp.asarray(rm), jnp.asarray(tm)


def kernel(data, edge_index, Wb0, Wc0, bc0, cb0, g0, b0, Wb1, Wc1, bc1, cb1,
           g1, b1, Wb2, Wc2, bc2, cb2, g2, b2, fcW, fcb):
    f32 = jnp.float32
    row = edge_index[0]
    col = edge_index[1]
    pad = EPAD - E
    rowp = jnp.concatenate([row, jnp.zeros((pad,), jnp.int32)])
    colp = jnp.concatenate([col, jnp.full((pad,), N, jnp.int32)])
    cols_deg = colp.reshape(32, CH_DEG, K)
    rows_il = rowp.reshape(-1, 2, K).transpose(1, 0, 2)
    cols_il = colp.reshape(-1, 2, K).transpose(1, 0, 2)
    rows_main = (rows_il.reshape(2, 16, CH_MAIN, K)
                 + jnp.arange(2, dtype=jnp.int32).reshape(2, 1, 1, 1) * NPAD)
    cols_main = cols_il.reshape(2, 16, CH_MAIN, K)
    data_pad = jnp.pad(data, ((0, NPAD - N), (0, 0)))

    WbT = jnp.concatenate([Wb0, Wb1, Wb2], axis=0).T
    WcT = jnp.concatenate([Wc0, Wc1, Wc2], axis=0).T
    bc_all = jnp.concatenate([bc0, bc1, bc2])[None, :]
    cb_all = jnp.concatenate([cb0, cb1, cb2])[None, :]
    rm, tm = _make_masks()

    deg_parts = _deg_pass(cols_deg)

    xs, dis = pl.pallas_call(
        _prep_body,
        grid=(GRID,),
        in_specs=[
            pl.BlockSpec((32, BR), lambda i: (0, i)),
            pl.BlockSpec((BR, C), lambda i: (i, 0)),
        ],
        out_specs=[
            pl.BlockSpec((2, BR, C), lambda i: (0, i, 0)),
            pl.BlockSpec((BR, 1), lambda i: (i, 0)),
        ],
        out_shape=[
            jax.ShapeDtypeStruct((2, NPAD, C), f32),
            jax.ShapeDtypeStruct((NPAD, 1), f32),
        ],
    )(deg_parts, data_pad)

    acc = _scatter_pass(rows_main, cols_main, xs.reshape(2 * NPAD, C))

    h_all, psum, psumsq = pl.pallas_call(
        _h_body,
        grid=(GRID,),
        in_specs=[
            pl.BlockSpec((2, BR, C), lambda i: (0, i, 0)),
            pl.BlockSpec((BR, 1), lambda i: (i, 0)),
            pl.BlockSpec((BR, C), lambda i: (i, 0)),
            _full((C, F)),
            _full((C, 96)),
            _full((1, 96)),
            _full((NB, 96, 384)),
            _full((NB, F, 384)),
            _full((1, 384)),
        ],
        out_specs=[
            pl.BlockSpec((BR, 384), lambda i: (i, 0)),
            pl.BlockSpec((1, 1, 384), lambda i: (i, 0, 0)),
            pl.BlockSpec((1, 1, 384), lambda i: (i, 0, 0)),
        ],
        out_shape=[
            jax.ShapeDtypeStruct((NPAD, 384), f32),
            jax.ShapeDtypeStruct((GRID, 1, 384), f32),
            jax.ShapeDtypeStruct((GRID, 1, 384), f32),
        ],
    )(acc, dis, data_pad, WbT, WcT, bc_all, rm, tm, cb_all)

    mean = jnp.sum(psum[:, 0, :], axis=0) / N
    var = jnp.sum(psumsq[:, 0, :], axis=0) / N - mean * mean
    istd = lax.rsqrt(var + EPS)
    g_all = jnp.concatenate([g0, g1, g2])
    b_all = jnp.concatenate([b0, b1, b2])
    scale = (g_all * istd)[None, :]
    shift = (b_all - mean * g_all * istd)[None, :]

    out = pl.pallas_call(
        _out_body,
        grid=(GRID,),
        in_specs=[
            pl.BlockSpec((BR, 384), lambda i: (i, 0)),
            pl.BlockSpec((BR, C), lambda i: (i, 0)),
            _full((1, 384)),
            _full((1, 384)),
            _full((C, C)),
            _full((384, C)),
            _full((1, C)),
        ],
        out_specs=pl.BlockSpec((BR, C), lambda i: (i, 0)),
        out_shape=jax.ShapeDtypeStruct((N, C), f32),
    )(h_all, data_pad, scale, shift, fcW[:, :C].T, fcW[:, C:].T, fcb[None, :])

    return out

# --- scband reference (transcript-rebuilt; emitter-appended) ---
"""Pipeline reference for scband-my-gnn-12945031430618 (READ-ONLY COPY).

The authoritative reference and input builder live on the scoring server;
editing this copy changes nothing except your own understanding.
"""

import jax, jax.numpy as jnp
import numpy as np

N = 10000
E = 320000
C = 128
H = 8
NB = 4
L = 3
HID = 128
EPS = 1e-5


def egconv(x, edge_index, Wb, Wc, bc, cb):
    # EGConv with aggregators=['symnorm'], num_heads=H, num_bases=NB, add_self_loops=True
    n = x.shape[0]
    loop = jnp.arange(n, dtype=edge_index.dtype)
    row = jnp.concatenate([edge_index[0], loop])
    col = jnp.concatenate([edge_index[1], loop])
    deg = jnp.zeros((n,), dtype=x.dtype).at[col].add(jnp.ones(row.shape[0], dtype=x.dtype))
    dis = jnp.where(deg > 0, 1.0 / jnp.sqrt(deg), 0.0)
    norm = dis[row] * dis[col]
    bases = x @ Wb.T                      # [N, NB * (C // H)]
    weightings = x @ Wc.T + bc            # [N, H * NB]
    msg = norm[:, None] * bases[row]      # gather on source nodes
    agg = jnp.zeros((n, bases.shape[1]), dtype=x.dtype).at[col].add(msg)  # scatter-add to dst
    agg = agg.reshape(n, NB, C // H)
    w = weightings.reshape(n, H, NB)
    out = jnp.einsum('nhb,nbc->nhc', w, agg).reshape(n, C)
    return out + cb


def bn_relu(h, g, b):
    # BatchNorm1d in training mode (batch statistics, biased variance) + relu_
    mean = jnp.mean(h, axis=0)
    var = jnp.mean((h - mean) ** 2, axis=0)
    hn = (h - mean) / jnp.sqrt(var + EPS) * g + b
    return jax.nn.relu(hn)


def setup_inputs(seed: int = 0):
    key = jax.random.key(seed)
    ks = jax.random.split(key, 24)
    inp = {}
    inp['data'] = jax.random.normal(ks[0], (N, C), dtype=jnp.float32)
    inp['edge_index'] = jax.random.randint(ks[1], (2, E), 0, N, dtype=jnp.int32)
    s = 1.0 / np.sqrt(C)
    for i in range(L):
        inp['Wb%d' % i] = jax.random.uniform(ks[2 + 6 * i], (NB * (C // H), C), minval=-s, maxval=s, dtype=jnp.float32)
        inp['Wc%d' % i] = jax.random.uniform(ks[3 + 6 * i], (H * NB, C), minval=-s, maxval=s, dtype=jnp.float32)
        inp['bc%d' % i] = jax.random.uniform(ks[4 + 6 * i], (H * NB,), minval=-s, maxval=s, dtype=jnp.float32)
        inp['cb%d' % i] = jnp.zeros((C,), dtype=jnp.float32)
        inp['g%d' % i] = jnp.ones((C,), dtype=jnp.float32)
        inp['b%d' % i] = jnp.zeros((C,), dtype=jnp.float32)
    s2 = 1.0 / np.sqrt(C * (L + 1))
    inp['fcW'] = jax.random.uniform(ks[20], (HID, C * (L + 1)), minval=-s2, maxval=s2, dtype=jnp.float32)
    inp['fcb'] = jax.random.uniform(ks[21], (HID,), minval=-s2, maxval=s2, dtype=jnp.float32)
    return inp


def reference(data, edge_index, Wb0, Wc0, bc0, cb0, g0, b0, Wb1, Wc1, bc1, cb1, g1, b1, Wb2, Wc2, bc2, cb2, g2, b2, fcW, fcb):
    params = [(Wb0, Wc0, bc0, cb0, g0, b0), (Wb1, Wc1, bc1, cb1, g1, b1), (Wb2, Wc2, bc2, cb2, g2, b2)]
    JK = [data]
    for Wb, Wc, bc, cb, g, b in params:
        # NOTE: original torch code feeds `data` (not the previous h) into every conv
        h = egconv(data, edge_index, Wb, Wc, bc, cb)
        JK.append(bn_relu(h, g, b))
    allh = jnp.concatenate(JK, axis=-1)
    return allh @ fcW.T + fcb

if __name__ == "__main__":
    import jax
    _d = setup_inputs()
    print(jax.jit(kernel)(*tuple(_d.values())))

</pallas_src>

<mosaic_0001>
#map = affine_map<(d0, d1) -> (0, 0, 0, 0)>
#map1 = affine_map<(d0, d1) -> (0, 0)>
#map2 = affine_map<(d0, d1) -> (0, 0, 0)>
module attributes {stable_mosaic.version = 14 : i64} {
  func.func @_scatter_pass(%arg0: i32, %arg1: i32, %arg2: memref<2x16x80x128xi32, #tpu.memory_space<hbm>>, %arg3: memref<2x16x80x128xi32, #tpu.memory_space<hbm>>, %arg4: memref<20480x128xf32, #tpu.memory_space<hbm>>, %arg5: memref<2x10240x128xf32, #tpu.memory_space<hbm>>, %arg6: memref<40x128xi32, #tpu.memory_space<vmem>>, %arg7: memref<40x128xi32, #tpu.memory_space<vmem>>, %arg8: memref<128x128xf32, #tpu.memory_space<vmem>>, %arg9: memref<128x128xf32, #tpu.memory_space<vmem>>, %arg10: memref<!tpu.dma_semaphore, #tpu.memory_space<semaphore_mem>>, %arg11: memref<!tpu.dma_semaphore, #tpu.memory_space<semaphore_mem>>, %arg12: memref<10240x128xf32, #tpu.memory_space<vmem_shared>>) attributes {dimension_semantics = [#tpu.dimension_semantics<core_parallel>, #tpu.dimension_semantics<subcore_parallel>], iteration_bounds = array<i64: 2, 16>, scalar_prefetch = 0 : i64, scratch_operands = 7 : i64, tpu.core_type = #tpu.core_type<sc_vector_subcore>, window_params = [{transform_indices = #map}, {transform_indices = #map}, {transform_indices = #map1}, {transform_indices = #map2}]} {
    %mul3A = arith.constant 10240 : i32
    %mul3A_0 = arith.muli %arg0, %mul3A : i32
    %mul3A_1 = arith.constant 640 : i32
    %mul3A_2 = arith.muli %arg1, %mul3A_1 : i32
    %add3A = arith.addi %mul3A_0, %mul3A_2 : i32
    %mul3A_3 = arith.constant 640 : i32
    %mul3A_4 = arith.muli %arg1, %mul3A_3 : i32
    "tpu.region"() ({
      %run_scoped3A_78 = tpu.sem_alloc : memref<!tpu.dma_semaphore, #tpu.memory_space<semaphore_mem>>
      %dma_start3A_79 = arith.constant 0 : i32
      %dma_start3A_80 = tpu.memref_slice %arg12[%mul3A_4, %dma_start3A_79] : memref<10240x128xf32, #tpu.memory_space<vmem_shared>> -> memref<640x128xf32, #tpu.memory_space<vmem_shared>>
      %dma_start3A_81 = arith.constant 0 : i32
      %dma_start3A_82 = tpu.memref_slice %arg4[%add3A, %dma_start3A_81] : memref<20480x128xf32, #tpu.memory_space<hbm>> -> memref<640x128xf32, #tpu.memory_space<hbm>>
      tpu.enqueue_dma source(%dma_start3A_82 : memref<640x128xf32, #tpu.memory_space<hbm>>) target(%dma_start3A_80 : memref<640x128xf32, #tpu.memory_space<vmem_shared>>) target_semaphore(%run_scoped3A_78 : memref<!tpu.dma_semaphore, #tpu.memory_space<semaphore_mem>>)
      %dma_wait3A_83 = arith.constant 0 : i32
      %dma_wait3A_84 = tpu.memref_slice %arg12[%mul3A_4, %dma_wait3A_83] : memref<10240x128xf32, #tpu.memory_space<vmem_shared>> -> memref<640x128xf32, #tpu.memory_space<vmem_shared>>
      %dma_wait3A_85 = arith.constant 0 : i32
      %dma_wait3A_86 = tpu.memref_slice %arg4[%add3A, %dma_wait3A_85] : memref<20480x128xf32, #tpu.memory_space<hbm>> -> memref<640x128xf32, #tpu.memory_space<hbm>>
      tpu.wait_dma2 semaphore(%run_scoped3A_78 : memref<!tpu.dma_semaphore, #tpu.memory_space<semaphore_mem>>) src(%dma_wait3A_86 : memref<640x128xf32, #tpu.memory_space<hbm>>) dst(%dma_wait3A_84 : memref<640x128xf32, #tpu.memory_space<vmem_shared>>)
      tpu.yield
    }) : () -> ()
    %barrier3A = arith.constant 0 : index
    tpu.barrier barrier_id(%barrier3A)
    "tpu.region"() ({
      %run_scoped3A_78 = tpu.sem_alloc : memref<!tpu.dma_semaphore, #tpu.memory_space<semaphore_mem>>
      %dma_start3A_79 = arith.constant 0 : i32
      %dma_start3A_80 = arith.constant 0 : i32
      %dma_start3A_81 = tpu.memref_slice %arg2[%arg0, %arg1, %dma_start3A_79, %dma_start3A_80] : memref<2x16x80x128xi32, #tpu.memory_space<hbm>> -> memref<1x1x40x128xi32, #tpu.memory_space<hbm>>
      %dma_start3A_82 = tpu.memref_squeeze %dma_start3A_81 : memref<1x1x40x128xi32, #tpu.memory_space<hbm>> -> memref<40x128xi32, #tpu.memory_space<hbm>>
      %dma_start3A_83 = arith.constant 0 : i32
      %dma_start3A_84 = arith.constant 0 : i32
      %dma_start3A_85 = tpu.memref_slice %arg2[%arg0, %arg1, %dma_start3A_83, %dma_start3A_84] : memref<2x16x80x128xi32, #tpu.memory_space<hbm>> -> memref<1x1x40x128xi32, #tpu.memory_space<hbm>>
      %dma_start3A_86 = tpu.memref_squeeze %dma_start3A_85 : memref<1x1x40x128xi32, #tpu.memory_space<hbm>> -> memref<40x128xi32, #tpu.memory_space<hbm>>
      tpu.enqueue_dma source(%dma_start3A_86 : memref<40x128xi32, #tpu.memory_space<hbm>>) target(%arg6 : memref<40x128xi32, #tpu.memory_space<vmem>>) target_semaphore(%run_scoped3A_78 : memref<!tpu.dma_semaphore, #tpu.memory_space<semaphore_mem>>)
      %dma_wait3A_87 = arith.constant 0 : i32
      %dma_wait3A_88 = arith.constant 0 : i32
      %dma_wait3A_89 = tpu.memref_slice %arg2[%arg0, %arg1, %dma_wait3A_87, %dma_wait3A_88] : memref<2x16x80x128xi32, #tpu.memory_space<hbm>> -> memref<1x1x40x128xi32, #tpu.memory_space<hbm>>
      %dma_wait3A_90 = tpu.memref_squeeze %dma_wait3A_89 : memref<1x1x40x128xi32, #tpu.memory_space<hbm>> -> memref<40x128xi32, #tpu.memory_space<hbm>>
      %dma_wait3A_91 = arith.constant 0 : i32
      %dma_wait3A_92 = arith.constant 0 : i32
      %dma_wait3A_93 = tpu.memref_slice %arg2[%arg0, %arg1, %dma_wait3A_91, %dma_wait3A_92] : memref<2x16x80x128xi32, #tpu.memory_space<hbm>> -> memref<1x1x40x128xi32, #tpu.memory_space<hbm>>
      %dma_wait3A_94 = tpu.memref_squeeze %dma_wait3A_93 : memref<1x1x40x128xi32, #tpu.memory_space<hbm>> -> memref<40x128xi32, #tpu.memory_space<hbm>>
      tpu.wait_dma2 semaphore(%run_scoped3A_78 : memref<!tpu.dma_semaphore, #tpu.memory_space<semaphore_mem>>) src(%dma_wait3A_94 : memref<40x128xi32, #tpu.memory_space<hbm>>) dst(%arg6 : memref<40x128xi32, #tpu.memory_space<vmem>>)
      tpu.yield
    }) : () -> ()
    "tpu.region"() ({
      %run_scoped3A_78 = tpu.sem_alloc : memref<!tpu.dma_semaphore, #tpu.memory_space<semaphore_mem>>
      %dma_start3A_79 = arith.constant 0 : i32
      %dma_start3A_80 = arith.constant 0 : i32
      %dma_start3A_81 = tpu.memref_slice %arg3[%arg0, %arg1, %dma_start3A_79, %dma_start3A_80] : memref<2x16x80x128xi32, #tpu.memory_space<hbm>> -> memref<1x1x40x128xi32, #tpu.memory_space<hbm>>
      %dma_start3A_82 = tpu.memref_squeeze %dma_start3A_81 : memref<1x1x40x128xi32, #tpu.memory_space<hbm>> -> memref<40x128xi32, #tpu.memory_space<hbm>>
      %dma_start3A_83 = arith.constant 0 : i32
      %dma_start3A_84 = arith.constant 0 : i32
      %dma_start3A_85 = tpu.memref_slice %arg3[%arg0, %arg1, %dma_start3A_83, %dma_start3A_84] : memref<2x16x80x128xi32, #tpu.memory_space<hbm>> -> memref<1x1x40x128xi32, #tpu.memory_space<hbm>>
      %dma_start3A_86 = tpu.memref_squeeze %dma_start3A_85 : memref<1x1x40x128xi32, #tpu.memory_space<hbm>> -> memref<40x128xi32, #tpu.memory_space<hbm>>
      tpu.enqueue_dma source(%dma_start3A_86 : memref<40x128xi32, #tpu.memory_space<hbm>>) target(%arg7 : memref<40x128xi32, #tpu.memory_space<vmem>>) target_semaphore(%run_scoped3A_78 : memref<!tpu.dma_semaphore, #tpu.memory_space<semaphore_mem>>)
      %dma_wait3A_87 = arith.constant 0 : i32
      %dma_wait3A_88 = arith.constant 0 : i32
      %dma_wait3A_89 = tpu.memref_slice %arg3[%arg0, %arg1, %dma_wait3A_87, %dma_wait3A_88] : memref<2x16x80x128xi32, #tpu.memory_space<hbm>> -> memref<1x1x40x128xi32, #tpu.memory_space<hbm>>
      %dma_wait3A_90 = tpu.memref_squeeze %dma_wait3A_89 : memref<1x1x40x128xi32, #tpu.memory_space<hbm>> -> memref<40x128xi32, #tpu.memory_space<hbm>>
      %dma_wait3A_91 = arith.constant 0 : i32
      %dma_wait3A_92 = arith.constant 0 : i32
      %dma_wait3A_93 = tpu.memref_slice %arg3[%arg0, %arg1, %dma_wait3A_91, %dma_wait3A_92] : memref<2x16x80x128xi32, #tpu.memory_space<hbm>> -> memref<1x1x40x128xi32, #tpu.memory_space<hbm>>
      %dma_wait3A_94 = tpu.memref_squeeze %dma_wait3A_93 : memref<1x1x40x128xi32, #tpu.memory_space<hbm>> -> memref<40x128xi32, #tpu.memory_space<hbm>>
      tpu.wait_dma2 semaphore(%run_scoped3A_78 : memref<!tpu.dma_semaphore, #tpu.memory_space<semaphore_mem>>) src(%dma_wait3A_94 : memref<40x128xi32, #tpu.memory_space<hbm>>) dst(%arg7 : memref<40x128xi32, #tpu.memory_space<vmem>>)
      tpu.yield
    }) : () -> ()
    %dma_start3A = arith.constant 0 : i32
    %dma_start3A_5 = arith.constant 0 : i32
    %dma_start3A_6 = tpu.memref_slice %arg6[%dma_start3A, %dma_start3A_5] : memref<40x128xi32, #tpu.memory_space<vmem>> -> memref<1x128xi32, #tpu.memory_space<vmem>>
    %dma_start3A_7 = tpu.memref_squeeze %dma_start3A_6 : memref<1x128xi32, #tpu.memory_space<vmem>> -> memref<128xi32, #tpu.memory_space<vmem>>
    %dma_start3A_8 = arith.constant 0 : i32
    %dma_start3A_9 = arith.constant 0 : i32
    %dma_start3A_10 = tpu.memref_slice %arg4[%dma_start3A_8, %dma_start3A_9] : memref<20480x128xf32, #tpu.memory_space<hbm>> -> memref<20480x128xf32, #tpu.memory_space<hbm>>
    tpu.enqueue_indirect_dma source(%dma_start3A_10 : memref<20480x128xf32, #tpu.memory_space<hbm>>) target(%arg8 : memref<128x128xf32, #tpu.memory_space<vmem>>) offsets(%dma_start3A_7 : memref<128xi32, #tpu.memory_space<vmem>>) semaphore(%arg10 : memref<!tpu.dma_semaphore, #tpu.memory_space<semaphore_mem>>)
    %dma_start3A_11 = arith.constant 1 : i32
    %dma_start3A_12 = arith.constant 0 : i32
    %dma_start3A_13 = tpu.memref_slice %arg6[%dma_start3A_11, %dma_start3A_12] : memref<40x128xi32, #tpu.memory_space<vmem>> -> memref<1x128xi32, #tpu.memory_space<vmem>>
    %dma_start3A_14 = tpu.memref_squeeze %dma_start3A_13 : memref<1x128xi32, #tpu.memory_space<vmem>> -> memref<128xi32, #tpu.memory_space<vmem>>
    %dma_start3A_15 = arith.constant 0 : i32
    %dma_start3A_16 = arith.constant 0 : i32
    %dma_start3A_17 = tpu.memref_slice %arg4[%dma_start3A_15, %dma_start3A_16] : memref<20480x128xf32, #tpu.memory_space<hbm>> -> memref<20480x128xf32, #tpu.memory_space<hbm>>
    tpu.enqueue_indirect_dma source(%dma_start3A_17 : memref<20480x128xf32, #tpu.memory_space<hbm>>) target(%arg9 : memref<128x128xf32, #tpu.memory_space<vmem>>) offsets(%dma_start3A_14 : memref<128xi32, #tpu.memory_space<vmem>>) semaphore(%arg11 : memref<!tpu.dma_semaphore, #tpu.memory_space<semaphore_mem>>)
    %scan3A = arith.constant 0 : i32
    %scan3A_18 = arith.constant 0 : i32
    %scan3A_19 = arith.constant 19 : i32
    %scan3A_20 = arith.addi %scan3A_18, %scan3A_19 : i32
    %scan3A_21 = arith.constant 1 : i32
    scf.for %scan3A_78 = %scan3A_18 to %scan3A_20 step %scan3A_21  : i32 {
      %mul3A_79 = arith.constant 2 : i32
      %mul3A_80 = arith.muli %scan3A_78, %mul3A_79 : i32
      %dma_wait3A_81 = arith.constant 0 : i32
      %dma_wait3A_82 = tpu.memref_slice %arg6[%mul3A_80, %dma_wait3A_81] : memref<40x128xi32, #tpu.memory_space<vmem>> -> memref<1x128xi32, #tpu.memory_space<vmem>>
      %dma_wait3A_83 = tpu.memref_squeeze %dma_wait3A_82 : memref<1x128xi32, #tpu.memory_space<vmem>> -> memref<128xi32, #tpu.memory_space<vmem>>
      %dma_wait3A_84 = arith.constant 0 : i32
      %dma_wait3A_85 = arith.constant 0 : i32
      %dma_wait3A_86 = tpu.memref_slice %arg4[%dma_wait3A_84, %dma_wait3A_85] : memref<20480x128xf32, #tpu.memory_space<hbm>> -> memref<20480x128xf32, #tpu.memory_space<hbm>>
      tpu.wait_indirect_dma semaphore(%arg10 : memref<!tpu.dma_semaphore, #tpu.memory_space<semaphore_mem>>) src(%dma_wait3A_86 : memref<20480x128xf32, #tpu.memory_space<hbm>>) dst(%arg8 : memref<128x128xf32, #tpu.memory_space<vmem>>)
      "tpu.region"() ({
        %run_scoped3A_113 = tpu.sem_alloc : memref<!tpu.dma_semaphore, #tpu.memory_space<semaphore_mem>>
        %dma_start3A_114 = arith.constant 0 : i32
        %dma_start3A_115 = tpu.memref_slice %arg7[%mul3A_80, %dma_start3A_114] : memref<40x128xi32, #tpu.memory_space<vmem>> -> memref<1x128xi32, #tpu.memory_space<vmem>>
        %dma_start3A_116 = tpu.memref_squeeze %dma_start3A_115 : memref<1x128xi32, #tpu.memory_space<vmem>> -> memref<128xi32, #tpu.memory_space<vmem>>
        %dma_start3A_117 = arith.constant 0 : i32
        %dma_start3A_118 = arith.constant 0 : i32
        %dma_start3A_119 = tpu.memref_slice %arg12[%dma_start3A_117, %dma_start3A_118] : memref<10240x128xf32, #tpu.memory_space<vmem_shared>> -> memref<10240x128xf32, #tpu.memory_space<vmem_shared>>
        tpu.enqueue_indirect_dma source(%arg8 : memref<128x128xf32, #tpu.memory_space<vmem>>) target(%dma_start3A_119 : memref<10240x128xf32, #tpu.memory_space<vmem_shared>>) offsets(%dma_start3A_116 : memref<128xi32, #tpu.memory_space<vmem>>) semaphore(%run_scoped3A_113 : memref<!tpu.dma_semaphore, #tpu.memory_space<semaphore_mem>>) {add = true}
        %dma_wait3A_120 = arith.constant 0 : i32
        %dma_wait3A_121 = tpu.memref_slice %arg7[%mul3A_80, %dma_wait3A_120] : memref<40x128xi32, #tpu.memory_space<vmem>> -> memref<1x128xi32, #tpu.memory_space<vmem>>
        %dma_wait3A_122 = tpu.memref_squeeze %dma_wait3A_121 : memref<1x128xi32, #tpu.memory_space<vmem>> -> memref<128xi32, #tpu.memory_space<vmem>>
        %dma_wait3A_123 = arith.constant 0 : i32
        %dma_wait3A_124 = arith.constant 0 : i32
        %dma_wait3A_125 = tpu.memref_slice %arg12[%dma_wait3A_123, %dma_wait3A_124] : memref<10240x128xf32, #tpu.memory_space<vmem_shared>> -> memref<10240x128xf32, #tpu.memory_space<vmem_shared>>
        tpu.wait_indirect_dma semaphore(%run_scoped3A_113 : memref<!tpu.dma_semaphore, #tpu.memory_space<semaphore_mem>>) src(%arg8 : memref<128x128xf32, #tpu.memory_space<vmem>>) dst(%dma_wait3A_125 : memref<10240x128xf32, #tpu.memory_space<vmem_shared>>)
        tpu.yield
      }) : () -> ()
      %add3A_87 = arith.constant 2 : i32
      %add3A_88 = arith.addi %mul3A_80, %add3A_87 : i32
      %dma_start3A_89 = arith.constant 0 : i32
      %dma_start3A_90 = tpu.memref_slice %arg6[%add3A_88, %dma_start3A_89] : memref<40x128xi32, #tpu.memory_space<vmem>> -> memref<1x128xi32, #tpu.memory_space<vmem>>
      %dma_start3A_91 = tpu.memref_squeeze %dma_start3A_90 : memref<1x128xi32, #tpu.memory_space<vmem>> -> memref<128xi32, #tpu.memory_space<vmem>>
      %dma_start3A_92 = arith.constant 0 : i32
      %dma_start3A_93 = arith.constant 0 : i32
      %dma_start3A_94 = tpu.memref_slice %arg4[%dma_start3A_92, %dma_start3A_93] : memref<20480x128xf32, #tpu.memory_space<hbm>> -> memref<20480x128xf32, #tpu.memory_space<hbm>>
      tpu.enqueue_indirect_dma source(%dma_start3A_94 : memref<20480x128xf32, #tpu.memory_space<hbm>>) target(%arg8 : memref<128x128xf32, #tpu.memory_space<vmem>>) offsets(%dma_start3A_91 : memref<128xi32, #tpu.memory_space<vmem>>) semaphore(%arg10 : memref<!tpu.dma_semaphore, #tpu.memory_space<semaphore_mem>>)
      %add3A_95 = arith.constant 1 : i32
      %add3A_96 = arith.addi %mul3A_80, %add3A_95 : i32
      %dma_wait3A_97 = arith.constant 0 : i32
      %dma_wait3A_98 = tpu.memref_slice %arg6[%add3A_96, %dma_wait3A_97] : memref<40x128xi32, #tpu.memory_space<vmem>> -> memref<1x128xi32, #tpu.memory_space<vmem>>
      %dma_wait3A_99 = tpu.memref_squeeze %dma_wait3A_98 : memref<1x128xi32, #tpu.memory_space<vmem>> -> memref<128xi32, #tpu.memory_space<vmem>>
      %dma_wait3A_100 = arith.constant 0 : i32
      %dma_wait3A_101 = arith.constant 0 : i32
      %dma_wait3A_102 = tpu.memref_slice %arg4[%dma_wait3A_100, %dma_wait3A_101] : memref<20480x128xf32, #tpu.memory_space<hbm>> -> memref<20480x128xf32, #tpu.memory_space<hbm>>
      tpu.wait_indirect_dma semaphore(%arg11 : memref<!tpu.dma_semaphore, #tpu.memory_space<semaphore_mem>>) src(%dma_wait3A_102 : memref<20480x128xf32, #tpu.memory_space<hbm>>) dst(%arg9 : memref<128x128xf32, #tpu.memory_space<vmem>>)
      %add3A_103 = arith.constant 1 : i32
      %add3A_104 = arith.addi %mul3A_80, %add3A_103 : i32
      "tpu.region"() ({
        %run_scoped3A_113 = tpu.sem_alloc : memref<!tpu.dma_semaphore, #tpu.memory_space<semaphore_mem>>
        %dma_start3A_114 = arith.constant 0 : i32
        %dma_start3A_115 = tpu.memref_slice %arg7[%add3A_104, %dma_start3A_114] : memref<40x128xi32, #tpu.memory_space<vmem>> -> memref<1x128xi32, #tpu.memory_space<vmem>>
        %dma_start3A_116 = tpu.memref_squeeze %dma_start3A_115 : memref<1x128xi32, #tpu.memory_space<vmem>> -> memref<128xi32, #tpu.memory_space<vmem>>
        %dma_start3A_117 = arith.constant 0 : i32
        %dma_start3A_118 = arith.constant 0 : i32
        %dma_start3A_119 = tpu.memref_slice %arg12[%dma_start3A_117, %dma_start3A_118] : memref<10240x128xf32, #tpu.memory_space<vmem_shared>> -> memref<10240x128xf32, #tpu.memory_space<vmem_shared>>
        tpu.enqueue_indirect_dma source(%arg9 : memref<128x128xf32, #tpu.memory_space<vmem>>) target(%dma_start3A_119 : memref<10240x128xf32, #tpu.memory_space<vmem_shared>>) offsets(%dma_start3A_116 : memref<128xi32, #tpu.memory_space<vmem>>) semaphore(%run_scoped3A_113 : memref<!tpu.dma_semaphore, #tpu.memory_space<semaphore_mem>>) {add = true}
        %dma_wait3A_120 = arith.constant 0 : i32
        %dma_wait3A_121 = tpu.memref_slice %arg7[%add3A_104, %dma_wait3A_120] : memref<40x128xi32, #tpu.memory_space<vmem>> -> memref<1x128xi32, #tpu.memory_space<vmem>>
        %dma_wait3A_122 = tpu.memref_squeeze %dma_wait3A_121 : memref<1x128xi32, #tpu.memory_space<vmem>> -> memref<128xi32, #tpu.memory_space<vmem>>
        %dma_wait3A_123 = arith.constant 0 : i32
        %dma_wait3A_124 = arith.constant 0 : i32
        %dma_wait3A_125 = tpu.memref_slice %arg12[%dma_wait3A_123, %dma_wait3A_124] : memref<10240x128xf32, #tpu.memory_space<vmem_shared>> -> memref<10240x128xf32, #tpu.memory_space<vmem_shared>>
        tpu.wait_indirect_dma semaphore(%run_scoped3A_113 : memref<!tpu.dma_semaphore, #tpu.memory_space<semaphore_mem>>) src(%arg9 : memref<128x128xf32, #tpu.memory_space<vmem>>) dst(%dma_wait3A_125 : memref<10240x128xf32, #tpu.memory_space<vmem_shared>>)
        tpu.yield
      }) : () -> ()
      %add3A_105 = arith.constant 3 : i32
      %add3A_106 = arith.addi %mul3A_80, %add3A_105 : i32
      %dma_start3A_107 = arith.constant 0 : i32
      %dma_start3A_108 = tpu.memref_slice %arg6[%add3A_106, %dma_start3A_107] : memref<40x128xi32, #tpu.memory_space<vmem>> -> memref<1x128xi32, #tpu.memory_space<vmem>>
      %dma_start3A_109 = tpu.memref_squeeze %dma_start3A_108 : memref<1x128xi32, #tpu.memory_space<vmem>> -> memref<128xi32, #tpu.memory_space<vmem>>
      %dma_start3A_110 = arith.constant 0 : i32
      %dma_start3A_111 = arith.constant 0 : i32
      %dma_start3A_112 = tpu.memref_slice %arg4[%dma_start3A_110, %dma_start3A_111] : memref<20480x128xf32, #tpu.memory_space<hbm>> -> memref<20480x128xf32, #tpu.memory_space<hbm>>
      tpu.enqueue_indirect_dma source(%dma_start3A_112 : memref<20480x128xf32, #tpu.memory_space<hbm>>) target(%arg9 : memref<128x128xf32, #tpu.memory_space<vmem>>) offsets(%dma_start3A_109 : memref<128xi32, #tpu.memory_space<vmem>>) semaphore(%arg11 : memref<!tpu.dma_semaphore, #tpu.memory_space<semaphore_mem>>)
    }
    %scan3A_22 = arith.constant 19 : i32
    %dma_wait3A = arith.constant 38 : i32
    %dma_wait3A_23 = arith.constant 0 : i32
    %dma_wait3A_24 = tpu.memref_slice %arg6[%dma_wait3A, %dma_wait3A_23] : memref<40x128xi32, #tpu.memory_space<vmem>> -> memref<1x128xi32, #tpu.memory_space<vmem>>
    %dma_wait3A_25 = tpu.memref_squeeze %dma_wait3A_24 : memref<1x128xi32, #tpu.memory_space<vmem>> -> memref<128xi32, #tpu.memory_space<vmem>>
    %dma_wait3A_26 = arith.constant 0 : i32
    %dma_wait3A_27 = arith.constant 0 : i32
    %dma_wait3A_28 = tpu.memref_slice %arg4[%dma_wait3A_26, %dma_wait3A_27] : memref<20480x128xf32, #tpu.memory_space<hbm>> -> memref<20480x128xf32, #tpu.memory_space<hbm>>
    tpu.wait_indirect_dma semaphore(%arg10 : memref<!tpu.dma_semaphore, #tpu.memory_space<semaphore_mem>>) src(%dma_wait3A_28 : memref<20480x128xf32, #tpu.memory_space<hbm>>) dst(%arg8 : memref<128x128xf32, #tpu.memory_space<vmem>>)
    %run_scoped3A = arith.constant 38 : i32
    "tpu.region"() ({
      %run_scoped3A_78 = tpu.sem_alloc : memref<!tpu.dma_semaphore, #tpu.memory_space<semaphore_mem>>
      %dma_start3A_79 = arith.constant 0 : i32
      %dma_start3A_80 = tpu.memref_slice %arg7[%run_scoped3A, %dma_start3A_79] : memref<40x128xi32, #tpu.memory_space<vmem>> -> memref<1x128xi32, #tpu.memory_space<vmem>>
      %dma_start3A_81 = tpu.memref_squeeze %dma_start3A_80 : memref<1x128xi32, #tpu.memory_space<vmem>> -> memref<128xi32, #tpu.memory_space<vmem>>
      %dma_start3A_82 = arith.constant 0 : i32
      %dma_start3A_83 = arith.constant 0 : i32
      %dma_start3A_84 = tpu.memref_slice %arg12[%dma_start3A_82, %dma_start3A_83] : memref<10240x128xf32, #tpu.memory_space<vmem_shared>> -> memref<10240x128xf32, #tpu.memory_space<vmem_shared>>
      tpu.enqueue_indirect_dma source(%arg8 : memref<128x128xf32, #tpu.memory_space<vmem>>) target(%dma_start3A_84 : memref<10240x128xf32, #tpu.memory_space<vmem_shared>>) offsets(%dma_start3A_81 : memref<128xi32, #tpu.memory_space<vmem>>) semaphore(%run_scoped3A_78 : memref<!tpu.dma_semaphore, #tpu.memory_space<semaphore_mem>>) {add = true}
      %dma_wait3A_85 = arith.constant 0 : i32
      %dma_wait3A_86 = tpu.memref_slice %arg7[%run_scoped3A, %dma_wait3A_85] : memref<40x128xi32, #tpu.memory_space<vmem>> -> memref<1x128xi32, #tpu.memory_space<vmem>>
      %dma_wait3A_87 = tpu.memref_squeeze %dma_wait3A_86 : memref<1x128xi32, #tpu.memory_space<vmem>> -> memref<128xi32, #tpu.memory_space<vmem>>
      %dma_wait3A_88 = arith.constant 0 : i32
      %dma_wait3A_89 = arith.constant 0 : i32
      %dma_wait3A_90 = tpu.memref_slice %arg12[%dma_wait3A_88, %dma_wait3A_89] : memref<10240x128xf32, #tpu.memory_space<vmem_shared>> -> memref<10240x128xf32, #tpu.memory_space<vmem_shared>>
      tpu.wait_indirect_dma semaphore(%run_scoped3A_78 : memref<!tpu.dma_semaphore, #tpu.memory_space<semaphore_mem>>) src(%arg8 : memref<128x128xf32, #tpu.memory_space<vmem>>) dst(%dma_wait3A_90 : memref<10240x128xf32, #tpu.memory_space<vmem_shared>>)
      tpu.yield
    }) : () -> ()
    %dma_wait3A_29 = arith.constant 39 : i32
    %dma_wait3A_30 = arith.constant 0 : i32
    %dma_wait3A_31 = tpu.memref_slice %arg6[%dma_wait3A_29, %dma_wait3A_30] : memref<40x128xi32, #tpu.memory_space<vmem>> -> memref<1x128xi32, #tpu.memory_space<vmem>>
    %dma_wait3A_32 = tpu.memref_squeeze %dma_wait3A_31 : memref<1x128xi32, #tpu.memory_space<vmem>> -> memref<128xi32, #tpu.memory_space<vmem>>
    %dma_wait3A_33 = arith.constant 0 : i32
    %dma_wait3A_34 = arith.constant 0 : i32
    %dma_wait3A_35 = tpu.memref_slice %arg4[%dma_wait3A_33, %dma_wait3A_34] : memref<20480x128xf32, #tpu.memory_space<hbm>> -> memref<20480x128xf32, #tpu.memory_space<hbm>>
    tpu.wait_indirect_dma semaphore(%arg11 : memref<!tpu.dma_semaphore, #tpu.memory_space<semaphore_mem>>) src(%dma_wait3A_35 : memref<20480x128xf32, #tpu.memory_space<hbm>>) dst(%arg9 : memref<128x128xf32, #tpu.memory_space<vmem>>)
    %run_scoped3A_36 = arith.constant 39 : i32
    "tpu.region"() ({
      %run_scoped3A_78 = tpu.sem_alloc : memref<!tpu.dma_semaphore, #tpu.memory_space<semaphore_mem>>
      %dma_start3A_79 = arith.constant 0 : i32
      %dma_start3A_80 = tpu.memref_slice %arg7[%run_scoped3A_36, %dma_start3A_79] : memref<40x128xi32, #tpu.memory_space<vmem>> -> memref<1x128xi32, #tpu.memory_space<vmem>>
      %dma_start3A_81 = tpu.memref_squeeze %dma_start3A_80 : memref<1x128xi32, #tpu.memory_space<vmem>> -> memref<128xi32, #tpu.memory_space<vmem>>
      %dma_start3A_82 = arith.constant 0 : i32
      %dma_start3A_83 = arith.constant 0 : i32
      %dma_start3A_84 = tpu.memref_slice %arg12[%dma_start3A_82, %dma_start3A_83] : memref<10240x128xf32, #tpu.memory_space<vmem_shared>> -> memref<10240x128xf32, #tpu.memory_space<vmem_shared>>
      tpu.enqueue_indirect_dma source(%arg9 : memref<128x128xf32, #tpu.memory_space<vmem>>) target(%dma_start3A_84 : memref<10240x128xf32, #tpu.memory_space<vmem_shared>>) offsets(%dma_start3A_81 : memref<128xi32, #tpu.memory_space<vmem>>) semaphore(%run_scoped3A_78 : memref<!tpu.dma_semaphore, #tpu.memory_space<semaphore_mem>>) {add = true}
      %dma_wait3A_85 = arith.constant 0 : i32
      %dma_wait3A_86 = tpu.memref_slice %arg7[%run_scoped3A_36, %dma_wait3A_85] : memref<40x128xi32, #tpu.memory_space<vmem>> -> memref<1x128xi32, #tpu.memory_space<vmem>>
      %dma_wait3A_87 = tpu.memref_squeeze %dma_wait3A_86 : memref<1x128xi32, #tpu.memory_space<vmem>> -> memref<128xi32, #tpu.memory_space<vmem>>
      %dma_wait3A_88 = arith.constant 0 : i32
      %dma_wait3A_89 = arith.constant 0 : i32
      %dma_wait3A_90 = tpu.memref_slice %arg12[%dma_wait3A_88, %dma_wait3A_89] : memref<10240x128xf32, #tpu.memory_space<vmem_shared>> -> memref<10240x128xf32, #tpu.memory_space<vmem_shared>>
      tpu.wait_indirect_dma semaphore(%run_scoped3A_78 : memref<!tpu.dma_semaphore, #tpu.memory_space<semaphore_mem>>) src(%arg9 : memref<128x128xf32, #tpu.memory_space<vmem>>) dst(%dma_wait3A_90 : memref<10240x128xf32, #tpu.memory_space<vmem_shared>>)
      tpu.yield
    }) : () -> ()
    "tpu.region"() ({
      %run_scoped3A_78 = tpu.sem_alloc : memref<!tpu.dma_semaphore, #tpu.memory_space<semaphore_mem>>
      %dma_start3A_79 = arith.constant 40 : i32
      %dma_start3A_80 = arith.constant 0 : i32
      %dma_start3A_81 = tpu.memref_slice %arg2[%arg0, %arg1, %dma_start3A_79, %dma_start3A_80] : memref<2x16x80x128xi32, #tpu.memory_space<hbm>> -> memref<1x1x40x128xi32, #tpu.memory_space<hbm>>
      %dma_start3A_82 = tpu.memref_squeeze %dma_start3A_81 : memref<1x1x40x128xi32, #tpu.memory_space<hbm>> -> memref<40x128xi32, #tpu.memory_space<hbm>>
      %dma_start3A_83 = arith.constant 40 : i32
      %dma_start3A_84 = arith.constant 0 : i32
      %dma_start3A_85 = tpu.memref_slice %arg2[%arg0, %arg1, %dma_start3A_83, %dma_start3A_84] : memref<2x16x80x128xi32, #tpu.memory_space<hbm>> -> memref<1x1x40x128xi32, #tpu.memory_space<hbm>>
      %dma_start3A_86 = tpu.memref_squeeze %dma_start3A_85 : memref<1x1x40x128xi32, #tpu.memory_space<hbm>> -> memref<40x128xi32, #tpu.memory_space<hbm>>
      tpu.enqueue_dma source(%dma_start3A_86 : memref<40x128xi32, #tpu.memory_space<hbm>>) target(%arg6 : memref<40x128xi32, #tpu.memory_space<vmem>>) target_semaphore(%run_scoped3A_78 : memref<!tpu.dma_semaphore, #tpu.memory_space<semaphore_mem>>)
      %dma_wait3A_87 = arith.constant 40 : i32
      %dma_wait3A_88 = arith.constant 0 : i32
      %dma_wait3A_89 = tpu.memref_slice %arg2[%arg0, %arg1, %dma_wait3A_87, %dma_wait3A_88] : memref<2x16x80x128xi32, #tpu.memory_space<hbm>> -> memref<1x1x40x128xi32, #tpu.memory_space<hbm>>
      %dma_wait3A_90 = tpu.memref_squeeze %dma_wait3A_89 : memref<1x1x40x128xi32, #tpu.memory_space<hbm>> -> memref<40x128xi32, #tpu.memory_space<hbm>>
      %dma_wait3A_91 = arith.constant 40 : i32
      %dma_wait3A_92 = arith.constant 0 : i32
      %dma_wait3A_93 = tpu.memref_slice %arg2[%arg0, %arg1, %dma_wait3A_91, %dma_wait3A_92] : memref<2x16x80x128xi32, #tpu.memory_space<hbm>> -> memref<1x1x40x128xi32, #tpu.memory_space<hbm>>
      %dma_wait3A_94 = tpu.memref_squeeze %dma_wait3A_93 : memref<1x1x40x128xi32, #tpu.memory_space<hbm>> -> memref<40x128xi32, #tpu.memory_space<hbm>>
      tpu.wait_dma2 semaphore(%run_scoped3A_78 : memref<!tpu.dma_semaphore, #tpu.memory_space<semaphore_mem>>) src(%dma_wait3A_94 : memref<40x128xi32, #tpu.memory_space<hbm>>) dst(%arg6 : memref<40x128xi32, #tpu.memory_space<vmem>>)
      tpu.yield
    }) : () -> ()
    "tpu.region"() ({
      %run_scoped3A_78 = tpu.sem_alloc : memref<!tpu.dma_semaphore, #tpu.memory_space<semaphore_mem>>
      %dma_start3A_79 = arith.constant 40 : i32
      %dma_start3A_80 = arith.constant 0 : i32
      %dma_start3A_81 = tpu.memref_slice %arg3[%arg0, %arg1, %dma_start3A_79, %dma_start3A_80] : memref<2x16x80x128xi32, #tpu.memory_space<hbm>> -> memref<1x1x40x128xi32, #tpu.memory_space<hbm>>
      %dma_start3A_82 = tpu.memref_squeeze %dma_start3A_81 : memref<1x1x40x128xi32, #tpu.memory_space<hbm>> -> memref<40x128xi32, #tpu.memory_space<hbm>>
      %dma_start3A_83 = arith.constant 40 : i32
      %dma_start3A_84 = arith.constant 0 : i32
      %dma_start3A_85 = tpu.memref_slice %arg3[%arg0, %arg1, %dma_start3A_83, %dma_start3A_84] : memref<2x16x80x128xi32, #tpu.memory_space<hbm>> -> memref<1x1x40x128xi32, #tpu.memory_space<hbm>>
      %dma_start3A_86 = tpu.memref_squeeze %dma_start3A_85 : memref<1x1x40x128xi32, #tpu.memory_space<hbm>> -> memref<40x128xi32, #tpu.memory_space<hbm>>
      tpu.enqueue_dma source(%dma_start3A_86 : memref<40x128xi32, #tpu.memory_space<hbm>>) target(%arg7 : memref<40x128xi32, #tpu.memory_space<vmem>>) target_semaphore(%run_scoped3A_78 : memref<!tpu.dma_semaphore, #tpu.memory_space<semaphore_mem>>)
      %dma_wait3A_87 = arith.constant 40 : i32
      %dma_wait3A_88 = arith.constant 0 : i32
      %dma_wait3A_89 = tpu.memref_slice %arg3[%arg0, %arg1, %dma_wait3A_87, %dma_wait3A_88] : memref<2x16x80x128xi32, #tpu.memory_space<hbm>> -> memref<1x1x40x128xi32, #tpu.memory_space<hbm>>
      %dma_wait3A_90 = tpu.memref_squeeze %dma_wait3A_89 : memref<1x1x40x128xi32, #tpu.memory_space<hbm>> -> memref<40x128xi32, #tpu.memory_space<hbm>>
      %dma_wait3A_91 = arith.constant 40 : i32
      %dma_wait3A_92 = arith.constant 0 : i32
      %dma_wait3A_93 = tpu.memref_slice %arg3[%arg0, %arg1, %dma_wait3A_91, %dma_wait3A_92] : memref<2x16x80x128xi32, #tpu.memory_space<hbm>> -> memref<1x1x40x128xi32, #tpu.memory_space<hbm>>
      %dma_wait3A_94 = tpu.memref_squeeze %dma_wait3A_93 : memref<1x1x40x128xi32, #tpu.memory_space<hbm>> -> memref<40x128xi32, #tpu.memory_space<hbm>>
      tpu.wait_dma2 semaphore(%run_scoped3A_78 : memref<!tpu.dma_semaphore, #tpu.memory_space<semaphore_mem>>) src(%dma_wait3A_94 : memref<40x128xi32, #tpu.memory_space<hbm>>) dst(%arg7 : memref<40x128xi32, #tpu.memory_space<vmem>>)
      tpu.yield
    }) : () -> ()
    %dma_start3A_37 = arith.constant 0 : i32
    %dma_start3A_38 = arith.constant 0 : i32
    %dma_start3A_39 = tpu.memref_slice %arg6[%dma_start3A_37, %dma_start3A_38] : memref<40x128xi32, #tpu.memory_space<vmem>> -> memref<1x128xi32, #tpu.memory_space<vmem>>
    %dma_start3A_40 = tpu.memref_squeeze %dma_start3A_39 : memref<1x128xi32, #tpu.memory_space<vmem>> -> memref<128xi32, #tpu.memory_space<vmem>>
    %dma_start3A_41 = arith.constant 0 : i32
    %dma_start3A_42 = arith.constant 0 : i32
    %dma_start3A_43 = tpu.memref_slice %arg4[%dma_start3A_41, %dma_start3A_42] : memref<20480x128xf32, #tpu.memory_space<hbm>> -> memref<20480x128xf32, #tpu.memory_space<hbm>>
    tpu.enqueue_indirect_dma source(%dma_start3A_43 : memref<20480x128xf32, #tpu.memory_space<hbm>>) target(%arg8 : memref<128x128xf32, #tpu.memory_space<vmem>>) offsets(%dma_start3A_40 : memref<128xi32, #tpu.memory_space<vmem>>) semaphore(%arg10 : memref<!tpu.dma_semaphore, #tpu.memory_space<semaphore_mem>>)
    %dma_start3A_44 = arith.constant 1 : i32
    %dma_start3A_45 = arith.constant 0 : i32
    %dma_start3A_46 = tpu.memref_slice %arg6[%dma_start3A_44, %dma_start3A_45] : memref<40x128xi32, #tpu.memory_space<vmem>> -> memref<1x128xi32, #tpu.memory_space<vmem>>
    %dma_start3A_47 = tpu.memref_squeeze %dma_start3A_46 : memref<1x128xi32, #tpu.memory_space<vmem>> -> memref<128xi32, #tpu.memory_space<vmem>>
    %dma_start3A_48 = arith.constant 0 : i32
    %dma_start3A_49 = arith.constant 0 : i32
    %dma_start3A_50 = tpu.memref_slice %arg4[%dma_start3A_48, %dma_start3A_49] : memref<20480x128xf32, #tpu.memory_space<hbm>> -> memref<20480x128xf32, #tpu.memory_space<hbm>>
    tpu.enqueue_indirect_dma source(%dma_start3A_50 : memref<20480x128xf32, #tpu.memory_space<hbm>>) target(%arg9 : memref<128x128xf32, #tpu.memory_space<vmem>>) offsets(%dma_start3A_47 : memref<128xi32, #tpu.memory_space<vmem>>) semaphore(%arg11 : memref<!tpu.dma_semaphore, #tpu.memory_space<semaphore_mem>>)
    %scan3A_51 = arith.constant 0 : i32
    %scan3A_52 = arith.constant 0 : i32
    %scan3A_53 = arith.constant 19 : i32
    %scan3A_54 = arith.addi %scan3A_52, %scan3A_53 : i32
    %scan3A_55 = arith.constant 1 : i32
    scf.for %scan3A_78 = %scan3A_52 to %scan3A_54 step %scan3A_55  : i32 {
      %mul3A_79 = arith.constant 2 : i32
      %mul3A_80 = arith.muli %scan3A_78, %mul3A_79 : i32
      %dma_wait3A_81 = arith.constant 0 : i32
      %dma_wait3A_82 = tpu.memref_slice %arg6[%mul3A_80, %dma_wait3A_81] : memref<40x128xi32, #tpu.memory_space<vmem>> -> memref<1x128xi32, #tpu.memory_space<vmem>>
      %dma_wait3A_83 = tpu.memref_squeeze %dma_wait3A_82 : memref<1x128xi32, #tpu.memory_space<vmem>> -> memref<128xi32, #tpu.memory_space<vmem>>
      %dma_wait3A_84 = arith.constant 0 : i32
      %dma_wait3A_85 = arith.constant 0 : i32
      %dma_wait3A_86 = tpu.memref_slice %arg4[%dma_wait3A_84, %dma_wait3A_85] : memref<20480x128xf32, #tpu.memory_space<hbm>> -> memref<20480x128xf32, #tpu.memory_space<hbm>>
      tpu.wait_indirect_dma semaphore(%arg10 : memref<!tpu.dma_semaphore, #tpu.memory_space<semaphore_mem>>) src(%dma_wait3A_86 : memref<20480x128xf32, #tpu.memory_space<hbm>>) dst(%arg8 : memref<128x128xf32, #tpu.memory_space<vmem>>)
      "tpu.region"() ({
        %run_scoped3A_113 = tpu.sem_alloc : memref<!tpu.dma_semaphore, #tpu.memory_space<semaphore_mem>>
        %dma_start3A_114 = arith.constant 0 : i32
        %dma_start3A_115 = tpu.memref_slice %arg7[%mul3A_80, %dma_start3A_114] : memref<40x128xi32, #tpu.memory_space<vmem>> -> memref<1x128xi32, #tpu.memory_space<vmem>>
        %dma_start3A_116 = tpu.memref_squeeze %dma_start3A_115 : memref<1x128xi32, #tpu.memory_space<vmem>> -> memref<128xi32, #tpu.memory_space<vmem>>
        %dma_start3A_117 = arith.constant 0 : i32
        %dma_start3A_118 = arith.constant 0 : i32
        %dma_start3A_119 = tpu.memref_slice %arg12[%dma_start3A_117, %dma_start3A_118] : memref<10240x128xf32, #tpu.memory_space<vmem_shared>> -> memref<10240x128xf32, #tpu.memory_space<vmem_shared>>
        tpu.enqueue_indirect_dma source(%arg8 : memref<128x128xf32, #tpu.memory_space<vmem>>) target(%dma_start3A_119 : memref<10240x128xf32, #tpu.memory_space<vmem_shared>>) offsets(%dma_start3A_116 : memref<128xi32, #tpu.memory_space<vmem>>) semaphore(%run_scoped3A_113 : memref<!tpu.dma_semaphore, #tpu.memory_space<semaphore_mem>>) {add = true}
        %dma_wait3A_120 = arith.constant 0 : i32
        %dma_wait3A_121 = tpu.memref_slice %arg7[%mul3A_80, %dma_wait3A_120] : memref<40x128xi32, #tpu.memory_space<vmem>> -> memref<1x128xi32, #tpu.memory_space<vmem>>
        %dma_wait3A_122 = tpu.memref_squeeze %dma_wait3A_121 : memref<1x128xi32, #tpu.memory_space<vmem>> -> memref<128xi32, #tpu.memory_space<vmem>>
        %dma_wait3A_123 = arith.constant 0 : i32
        %dma_wait3A_124 = arith.constant 0 : i32
        %dma_wait3A_125 = tpu.memref_slice %arg12[%dma_wait3A_123, %dma_wait3A_124] : memref<10240x128xf32, #tpu.memory_space<vmem_shared>> -> memref<10240x128xf32, #tpu.memory_space<vmem_shared>>
        tpu.wait_indirect_dma semaphore(%run_scoped3A_113 : memref<!tpu.dma_semaphore, #tpu.memory_space<semaphore_mem>>) src(%arg8 : memref<128x128xf32, #tpu.memory_space<vmem>>) dst(%dma_wait3A_125 : memref<10240x128xf32, #tpu.memory_space<vmem_shared>>)
        tpu.yield
      }) : () -> ()
      %add3A_87 = arith.constant 2 : i32
      %add3A_88 = arith.addi %mul3A_80, %add3A_87 : i32
      %dma_start3A_89 = arith.constant 0 : i32
      %dma_start3A_90 = tpu.memref_slice %arg6[%add3A_88, %dma_start3A_89] : memref<40x128xi32, #tpu.memory_space<vmem>> -> memref<1x128xi32, #tpu.memory_space<vmem>>
      %dma_start3A_91 = tpu.memref_squeeze %dma_start3A_90 : memref<1x128xi32, #tpu.memory_space<vmem>> -> memref<128xi32, #tpu.memory_space<vmem>>
      %dma_start3A_92 = arith.constant 0 : i32
      %dma_start3A_93 = arith.constant 0 : i32
      %dma_start3A_94 = tpu.memref_slice %arg4[%dma_start3A_92, %dma_start3A_93] : memref<20480x128xf32, #tpu.memory_space<hbm>> -> memref<20480x128xf32, #tpu.memory_space<hbm>>
      tpu.enqueue_indirect_dma source(%dma_start3A_94 : memref<20480x128xf32, #tpu.memory_space<hbm>>) target(%arg8 : memref<128x128xf32, #tpu.memory_space<vmem>>) offsets(%dma_start3A_91 : memref<128xi32, #tpu.memory_space<vmem>>) semaphore(%arg10 : memref<!tpu.dma_semaphore, #tpu.memory_space<semaphore_mem>>)
      %add3A_95 = arith.constant 1 : i32
      %add3A_96 = arith.addi %mul3A_80, %add3A_95 : i32
      %dma_wait3A_97 = arith.constant 0 : i32
      %dma_wait3A_98 = tpu.memref_slice %arg6[%add3A_96, %dma_wait3A_97] : memref<40x128xi32, #tpu.memory_space<vmem>> -> memref<1x128xi32, #tpu.memory_space<vmem>>
      %dma_wait3A_99 = tpu.memref_squeeze %dma_wait3A_98 : memref<1x128xi32, #tpu.memory_space<vmem>> -> memref<128xi32, #tpu.memory_space<vmem>>
      %dma_wait3A_100 = arith.constant 0 : i32
      %dma_wait3A_101 = arith.constant 0 : i32
      %dma_wait3A_102 = tpu.memref_slice %arg4[%dma_wait3A_100, %dma_wait3A_101] : memref<20480x128xf32, #tpu.memory_space<hbm>> -> memref<20480x128xf32, #tpu.memory_space<hbm>>
      tpu.wait_indirect_dma semaphore(%arg11 : memref<!tpu.dma_semaphore, #tpu.memory_space<semaphore_mem>>) src(%dma_wait3A_102 : memref<20480x128xf32, #tpu.memory_space<hbm>>) dst(%arg9 : memref<128x128xf32, #tpu.memory_space<vmem>>)
      %add3A_103 = arith.constant 1 : i32
      %add3A_104 = arith.addi %mul3A_80, %add3A_103 : i32
      "tpu.region"() ({
        %run_scoped3A_113 = tpu.sem_alloc : memref<!tpu.dma_semaphore, #tpu.memory_space<semaphore_mem>>
        %dma_start3A_114 = arith.constant 0 : i32
        %dma_start3A_115 = tpu.memref_slice %arg7[%add3A_104, %dma_start3A_114] : memref<40x128xi32, #tpu.memory_space<vmem>> -> memref<1x128xi32, #tpu.memory_space<vmem>>
        %dma_start3A_116 = tpu.memref_squeeze %dma_start3A_115 : memref<1x128xi32, #tpu.memory_space<vmem>> -> memref<128xi32, #tpu.memory_space<vmem>>
        %dma_start3A_117 = arith.constant 0 : i32
        %dma_start3A_118 = arith.constant 0 : i32
        %dma_start3A_119 = tpu.memref_slice %arg12[%dma_start3A_117, %dma_start3A_118] : memref<10240x128xf32, #tpu.memory_space<vmem_shared>> -> memref<10240x128xf32, #tpu.memory_space<vmem_shared>>
        tpu.enqueue_indirect_dma source(%arg9 : memref<128x128xf32, #tpu.memory_space<vmem>>) target(%dma_start3A_119 : memref<10240x128xf32, #tpu.memory_space<vmem_shared>>) offsets(%dma_start3A_116 : memref<128xi32, #tpu.memory_space<vmem>>) semaphore(%run_scoped3A_113 : memref<!tpu.dma_semaphore, #tpu.memory_space<semaphore_mem>>) {add = true}
        %dma_wait3A_120 = arith.constant 0 : i32
        %dma_wait3A_121 = tpu.memref_slice %arg7[%add3A_104, %dma_wait3A_120] : memref<40x128xi32, #tpu.memory_space<vmem>> -> memref<1x128xi32, #tpu.memory_space<vmem>>
        %dma_wait3A_122 = tpu.memref_squeeze %dma_wait3A_121 : memref<1x128xi32, #tpu.memory_space<vmem>> -> memref<128xi32, #tpu.memory_space<vmem>>
        %dma_wait3A_123 = arith.constant 0 : i32
        %dma_wait3A_124 = arith.constant 0 : i32
        %dma_wait3A_125 = tpu.memref_slice %arg12[%dma_wait3A_123, %dma_wait3A_124] : memref<10240x128xf32, #tpu.memory_space<vmem_shared>> -> memref<10240x128xf32, #tpu.memory_space<vmem_shared>>
        tpu.wait_indirect_dma semaphore(%run_scoped3A_113 : memref<!tpu.dma_semaphore, #tpu.memory_space<semaphore_mem>>) src(%arg9 : memref<128x128xf32, #tpu.memory_space<vmem>>) dst(%dma_wait3A_125 : memref<10240x128xf32, #tpu.memory_space<vmem_shared>>)
        tpu.yield
      }) : () -> ()
      %add3A_105 = arith.constant 3 : i32
      %add3A_106 = arith.addi %mul3A_80, %add3A_105 : i32
      %dma_start3A_107 = arith.constant 0 : i32
      %dma_start3A_108 = tpu.memref_slice %arg6[%add3A_106, %dma_start3A_107] : memref<40x128xi32, #tpu.memory_space<vmem>> -> memref<1x128xi32, #tpu.memory_space<vmem>>
      %dma_start3A_109 = tpu.memref_squeeze %dma_start3A_108 : memref<1x128xi32, #tpu.memory_space<vmem>> -> memref<128xi32, #tpu.memory_space<vmem>>
      %dma_start3A_110 = arith.constant 0 : i32
      %dma_start3A_111 = arith.constant 0 : i32
      %dma_start3A_112 = tpu.memref_slice %arg4[%dma_start3A_110, %dma_start3A_111] : memref<20480x128xf32, #tpu.memory_space<hbm>> -> memref<20480x128xf32, #tpu.memory_space<hbm>>
      tpu.enqueue_indirect_dma source(%dma_start3A_112 : memref<20480x128xf32, #tpu.memory_space<hbm>>) target(%arg9 : memref<128x128xf32, #tpu.memory_space<vmem>>) offsets(%dma_start3A_109 : memref<128xi32, #tpu.memory_space<vmem>>) semaphore(%arg11 : memref<!tpu.dma_semaphore, #tpu.memory_space<semaphore_mem>>)
    }
    %scan3A_56 = arith.constant 19 : i32
    %dma_wait3A_57 = arith.constant 38 : i32
    %dma_wait3A_58 = arith.constant 0 : i32
    %dma_wait3A_59 = tpu.memref_slice %arg6[%dma_wait3A_57, %dma_wait3A_58] : memref<40x128xi32, #tpu.memory_space<vmem>> -> memref<1x128xi32, #tpu.memory_space<vmem>>
    %dma_wait3A_60 = tpu.memref_squeeze %dma_wait3A_59 : memref<1x128xi32, #tpu.memory_space<vmem>> -> memref<128xi32, #tpu.memory_space<vmem>>
    %dma_wait3A_61 = arith.constant 0 : i32
    %dma_wait3A_62 = arith.constant 0 : i32
    %dma_wait3A_63 = tpu.memref_slice %arg4[%dma_wait3A_61, %dma_wait3A_62] : memref<20480x128xf32, #tpu.memory_space<hbm>> -> memref<20480x128xf32, #tpu.memory_space<hbm>>
    tpu.wait_indirect_dma semaphore(%arg10 : memref<!tpu.dma_semaphore, #tpu.memory_space<semaphore_mem>>) src(%dma_wait3A_63 : memref<20480x128xf32, #tpu.memory_space<hbm>>) dst(%arg8 : memref<128x128xf32, #tpu.memory_space<vmem>>)
    %run_scoped3A_64 = arith.constant 38 : i32
    "tpu.region"() ({
      %run_scoped3A_78 = tpu.sem_alloc : memref<!tpu.dma_semaphore, #tpu.memory_space<semaphore_mem>>
      %dma_start3A_79 = arith.constant 0 : i32
      %dma_start3A_80 = tpu.memref_slice %arg7[%run_scoped3A_64, %dma_start3A_79] : memref<40x128xi32, #tpu.memory_space<vmem>> -> memref<1x128xi32, #tpu.memory_space<vmem>>
      %dma_start3A_81 = tpu.memref_squeeze %dma_start3A_80 : memref<1x128xi32, #tpu.memory_space<vmem>> -> memref<128xi32, #tpu.memory_space<vmem>>
      %dma_start3A_82 = arith.constant 0 : i32
      %dma_start3A_83 = arith.constant 0 : i32
      %dma_start3A_84 = tpu.memref_slice %arg12[%dma_start3A_82, %dma_start3A_83] : memref<10240x128xf32, #tpu.memory_space<vmem_shared>> -> memref<10240x128xf32, #tpu.memory_space<vmem_shared>>
      tpu.enqueue_indirect_dma source(%arg8 : memref<128x128xf32, #tpu.memory_space<vmem>>) target(%dma_start3A_84 : memref<10240x128xf32, #tpu.memory_space<vmem_shared>>) offsets(%dma_start3A_81 : memref<128xi32, #tpu.memory_space<vmem>>) semaphore(%run_scoped3A_78 : memref<!tpu.dma_semaphore, #tpu.memory_space<semaphore_mem>>) {add = true}
      %dma_wait3A_85 = arith.constant 0 : i32
      %dma_wait3A_86 = tpu.memref_slice %arg7[%run_scoped3A_64, %dma_wait3A_85] : memref<40x128xi32, #tpu.memory_space<vmem>> -> memref<1x128xi32, #tpu.memory_space<vmem>>
      %dma_wait3A_87 = tpu.memref_squeeze %dma_wait3A_86 : memref<1x128xi32, #tpu.memory_space<vmem>> -> memref<128xi32, #tpu.memory_space<vmem>>
      %dma_wait3A_88 = arith.constant 0 : i32
      %dma_wait3A_89 = arith.constant 0 : i32
      %dma_wait3A_90 = tpu.memref_slice %arg12[%dma_wait3A_88, %dma_wait3A_89] : memref<10240x128xf32, #tpu.memory_space<vmem_shared>> -> memref<10240x128xf32, #tpu.memory_space<vmem_shared>>
      tpu.wait_indirect_dma semaphore(%run_scoped3A_78 : memref<!tpu.dma_semaphore, #tpu.memory_space<semaphore_mem>>) src(%arg8 : memref<128x128xf32, #tpu.memory_space<vmem>>) dst(%dma_wait3A_90 : memref<10240x128xf32, #tpu.memory_space<vmem_shared>>)
      tpu.yield
    }) : () -> ()
    %dma_wait3A_65 = arith.constant 39 : i32
    %dma_wait3A_66 = arith.constant 0 : i32
    %dma_wait3A_67 = tpu.memref_slice %arg6[%dma_wait3A_65, %dma_wait3A_66] : memref<40x128xi32, #tpu.memory_space<vmem>> -> memref<1x128xi32, #tpu.memory_space<vmem>>
    %dma_wait3A_68 = tpu.memref_squeeze %dma_wait3A_67 : memref<1x128xi32, #tpu.memory_space<vmem>> -> memref<128xi32, #tpu.memory_space<vmem>>
    %dma_wait3A_69 = arith.constant 0 : i32
    %dma_wait3A_70 = arith.constant 0 : i32
    %dma_wait3A_71 = tpu.memref_slice %arg4[%dma_wait3A_69, %dma_wait3A_70] : memref<20480x128xf32, #tpu.memory_space<hbm>> -> memref<20480x128xf32, #tpu.memory_space<hbm>>
    tpu.wait_indirect_dma semaphore(%arg11 : memref<!tpu.dma_semaphore, #tpu.memory_space<semaphore_mem>>) src(%dma_wait3A_71 : memref<20480x128xf32, #tpu.memory_space<hbm>>) dst(%arg9 : memref<128x128xf32, #tpu.memory_space<vmem>>)
    %run_scoped3A_72 = arith.constant 39 : i32
    "tpu.region"() ({
      %run_scoped3A_78 = tpu.sem_alloc : memref<!tpu.dma_semaphore, #tpu.memory_space<semaphore_mem>>
      %dma_start3A_79 = arith.constant 0 : i32
      %dma_start3A_80 = tpu.memref_slice %arg7[%run_scoped3A_72, %dma_start3A_79] : memref<40x128xi32, #tpu.memory_space<vmem>> -> memref<1x128xi32, #tpu.memory_space<vmem>>
      %dma_start3A_81 = tpu.memref_squeeze %dma_start3A_80 : memref<1x128xi32, #tpu.memory_space<vmem>> -> memref<128xi32, #tpu.memory_space<vmem>>
      %dma_start3A_82 = arith.constant 0 : i32
      %dma_start3A_83 = arith.constant 0 : i32
      %dma_start3A_84 = tpu.memref_slice %arg12[%dma_start3A_82, %dma_start3A_83] : memref<10240x128xf32, #tpu.memory_space<vmem_shared>> -> memref<10240x128xf32, #tpu.memory_space<vmem_shared>>
      tpu.enqueue_indirect_dma source(%arg9 : memref<128x128xf32, #tpu.memory_space<vmem>>) target(%dma_start3A_84 : memref<10240x128xf32, #tpu.memory_space<vmem_shared>>) offsets(%dma_start3A_81 : memref<128xi32, #tpu.memory_space<vmem>>) semaphore(%run_scoped3A_78 : memref<!tpu.dma_semaphore, #tpu.memory_space<semaphore_mem>>) {add = true}
      %dma_wait3A_85 = arith.constant 0 : i32
      %dma_wait3A_86 = tpu.memref_slice %arg7[%run_scoped3A_72, %dma_wait3A_85] : memref<40x128xi32, #tpu.memory_space<vmem>> -> memref<1x128xi32, #tpu.memory_space<vmem>>
      %dma_wait3A_87 = tpu.memref_squeeze %dma_wait3A_86 : memref<1x128xi32, #tpu.memory_space<vmem>> -> memref<128xi32, #tpu.memory_space<vmem>>
      %dma_wait3A_88 = arith.constant 0 : i32
      %dma_wait3A_89 = arith.constant 0 : i32
      %dma_wait3A_90 = tpu.memref_slice %arg12[%dma_wait3A_88, %dma_wait3A_89] : memref<10240x128xf32, #tpu.memory_space<vmem_shared>> -> memref<10240x128xf32, #tpu.memory_space<vmem_shared>>
      tpu.wait_indirect_dma semaphore(%run_scoped3A_78 : memref<!tpu.dma_semaphore, #tpu.memory_space<semaphore_mem>>) src(%arg9 : memref<128x128xf32, #tpu.memory_space<vmem>>) dst(%dma_wait3A_90 : memref<10240x128xf32, #tpu.memory_space<vmem_shared>>)
      tpu.yield
    }) : () -> ()
    %barrier3A_73 = arith.constant 0 : index
    tpu.barrier barrier_id(%barrier3A_73)
    %mul3A_74 = arith.constant 640 : i32
    %mul3A_75 = arith.muli %arg1, %mul3A_74 : i32
    %mul3A_76 = arith.constant 640 : i32
    %mul3A_77 = arith.muli %arg1, %mul3A_76 : i32
    "tpu.region"() ({
      %run_scoped3A_78 = tpu.sem_alloc : memref<!tpu.dma_semaphore, #tpu.memory_space<semaphore_mem>>
      %dma_start3A_79 = arith.constant 0 : i32
      %dma_start3A_80 = tpu.memref_slice %arg5[%arg0, %mul3A_77, %dma_start3A_79] : memref<2x10240x128xf32, #tpu.memory_space<hbm>> -> memref<1x640x128xf32, #tpu.memory_space<hbm>>
      %dma_start3A_81 = tpu.memref_squeeze %dma_start3A_80 : memref<1x640x128xf32, #tpu.memory_space<hbm>> -> memref<640x128xf32, #tpu.memory_space<hbm>>
      %dma_start3A_82 = arith.constant 0 : i32
      %dma_start3A_83 = tpu.memref_slice %arg12[%mul3A_75, %dma_start3A_82] : memref<10240x128xf32, #tpu.memory_space<vmem_shared>> -> memref<640x128xf32, #tpu.memory_space<vmem_shared>>
      tpu.enqueue_dma source(%dma_start3A_83 : memref<640x128xf32, #tpu.memory_space<vmem_shared>>) target(%dma_start3A_81 : memref<640x128xf32, #tpu.memory_space<hbm>>) target_semaphore(%run_scoped3A_78 : memref<!tpu.dma_semaphore, #tpu.memory_space<semaphore_mem>>)
      %dma_wait3A_84 = arith.constant 0 : i32
      %dma_wait3A_85 = tpu.memref_slice %arg5[%arg0, %mul3A_77, %dma_wait3A_84] : memref<2x10240x128xf32, #tpu.memory_space<hbm>> -> memref<1x640x128xf32, #tpu.memory_space<hbm>>
      %dma_wait3A_86 = tpu.memref_squeeze %dma_wait3A_85 : memref<1x640x128xf32, #tpu.memory_space<hbm>> -> memref<640x128xf32, #tpu.memory_space<hbm>>
      %dma_wait3A_87 = arith.constant 0 : i32
      %dma_wait3A_88 = tpu.memref_slice %arg12[%mul3A_75, %dma_wait3A_87] : memref<10240x128xf32, #tpu.memory_space<vmem_shared>> -> memref<640x128xf32, #tpu.memory_space<vmem_shared>>
      tpu.wait_dma2 semaphore(%run_scoped3A_78 : memref<!tpu.dma_semaphore, #tpu.memory_space<semaphore_mem>>) src(%dma_wait3A_88 : memref<640x128xf32, #tpu.memory_space<vmem_shared>>) dst(%dma_wait3A_86 : memref<640x128xf32, #tpu.memory_space<hbm>>)
      tpu.yield
    }) : () -> ()
    return
  }
}

#map = affine_map<(d0, d1) -> (0, 0, 0)>
#map1 = affine_map<(d0, d1) -> (0, 0)>
module attributes {stable_mosaic.version = 14 : i64} {
  func.func @_deg_pass(%arg0: i32, %arg1: i32, %arg2: memref<32x80x128xi32, #tpu.memory_space<hbm>>, %arg3: memref<32x10240xf32, #tpu.memory_space<hbm>>, %arg4: memref<80x128xi32, #tpu.memory_space<vmem>>, %arg5: memref<10240xf32, #tpu.memory_space<vmem>>) attributes {dimension_semantics = [#tpu.dimension_semantics<core_parallel>, #tpu.dimension_semantics<subcore_parallel>], iteration_bounds = array<i64: 2, 16>, scalar_prefetch = 0 : i64, scratch_operands = 2 : i64, tpu.core_type = #tpu.core_type<sc_vector_subcore>, window_params = [{transform_indices = #map}, {transform_indices = #map1}]} {
    %mul3A = arith.constant 16 : i32
    %mul3A_0 = arith.muli %arg0, %mul3A : i32
    %add3A = arith.addi %mul3A_0, %arg1 : i32
    "tpu.region"() ({
      %run_scoped3A = tpu.sem_alloc : memref<!tpu.dma_semaphore, #tpu.memory_space<semaphore_mem>>
      %dma_start3A = arith.constant 0 : i32
      %dma_start3A_13 = arith.constant 0 : i32
      %dma_start3A_14 = tpu.memref_slice %arg2[%add3A, %dma_start3A, %dma_start3A_13] : memref<32x80x128xi32, #tpu.memory_space<hbm>> -> memref<1x80x128xi32, #tpu.memory_space<hbm>>
      %dma_start3A_15 = tpu.memref_squeeze %dma_start3A_14 : memref<1x80x128xi32, #tpu.memory_space<hbm>> -> memref<80x128xi32, #tpu.memory_space<hbm>>
      %dma_start3A_16 = arith.constant 0 : i32
      %dma_start3A_17 = arith.constant 0 : i32
      %dma_start3A_18 = tpu.memref_slice %arg2[%add3A, %dma_start3A_16, %dma_start3A_17] : memref<32x80x128xi32, #tpu.memory_space<hbm>> -> memref<1x80x128xi32, #tpu.memory_space<hbm>>
      %dma_start3A_19 = tpu.memref_squeeze %dma_start3A_18 : memref<1x80x128xi32, #tpu.memory_space<hbm>> -> memref<80x128xi32, #tpu.memory_space<hbm>>
      tpu.enqueue_dma source(%dma_start3A_19 : memref<80x128xi32, #tpu.memory_space<hbm>>) target(%arg4 : memref<80x128xi32, #tpu.memory_space<vmem>>) target_semaphore(%run_scoped3A : memref<!tpu.dma_semaphore, #tpu.memory_space<semaphore_mem>>)
      %dma_wait3A = arith.constant 0 : i32
      %dma_wait3A_20 = arith.constant 0 : i32
      %dma_wait3A_21 = tpu.memref_slice %arg2[%add3A, %dma_wait3A, %dma_wait3A_20] : memref<32x80x128xi32, #tpu.memory_space<hbm>> -> memref<1x80x128xi32, #tpu.memory_space<hbm>>
      %dma_wait3A_22 = tpu.memref_squeeze %dma_wait3A_21 : memref<1x80x128xi32, #tpu.memory_space<hbm>> -> memref<80x128xi32, #tpu.memory_space<hbm>>
      %dma_wait3A_23 = arith.constant 0 : i32
      %dma_wait3A_24 = arith.constant 0 : i32
      %dma_wait3A_25 = tpu.memref_slice %arg2[%add3A, %dma_wait3A_23, %dma_wait3A_24] : memref<32x80x128xi32, #tpu.memory_space<hbm>> -> memref<1x80x128xi32, #tpu.memory_space<hbm>>
      %dma_wait3A_26 = tpu.memref_squeeze %dma_wait3A_25 : memref<1x80x128xi32, #tpu.memory_space<hbm>> -> memref<80x128xi32, #tpu.memory_space<hbm>>
      tpu.wait_dma2 semaphore(%run_scoped3A : memref<!tpu.dma_semaphore, #tpu.memory_space<semaphore_mem>>) src(%dma_wait3A_26 : memref<80x128xi32, #tpu.memory_space<hbm>>) dst(%arg4 : memref<80x128xi32, #tpu.memory_space<vmem>>)
      tpu.yield
    }) : () -> ()
    %scan3A = arith.constant 0 : i32
    %scan3A_1 = arith.constant 0 : i32
    %scan3A_2 = arith.constant 640 : i32
    %scan3A_3 = arith.addi %scan3A_1, %scan3A_2 : i32
    %scan3A_4 = arith.constant 1 : i32
    scf.for %scan3A_13 = %scan3A_1 to %scan3A_3 step %scan3A_4  : i32 {
      %broadcast_in_dim3A_14 = arith.constant 0.000000e+00 : f32
      %broadcast_in_dim3A_15 = vector.broadcast %broadcast_in_dim3A_14 : f32 to vector<16xf32>
      %mul3A_16 = arith.constant 16 : i32
      %mul3A_17 = arith.muli %scan3A_13, %mul3A_16 : i32
      %swap3A = arith.index_cast %mul3A_17 : i32 to index
      %swap3A_18 = tpu.vector_load %arg5[%swap3A] {strides = array<i32>} : memref<10240xf32, #tpu.memory_space<vmem>>, vector<16xf32>,
      tpu.vector_store %arg5[%swap3A], %broadcast_in_dim3A_15 {strides = array<i32>} : memref<10240xf32, #tpu.memory_space<vmem>>, vector<16xf32>,
    }
    %scan3A_5 = arith.constant 640 : i32
    %broadcast_in_dim3A = arith.constant 1.000000e+00 : f32
    %broadcast_in_dim3A_6 = vector.broadcast %broadcast_in_dim3A : f32 to vector<16xf32>
    %scan3A_7 = arith.constant 0 : i32
    %scan3A_8 = arith.constant 0 : i32
    %scan3A_9 = arith.constant 80 : i32
    %scan3A_10 = arith.addi %scan3A_8, %scan3A_9 : i32
    %scan3A_11 = arith.constant 1 : i32
    scf.for %scan3A_13 = %scan3A_8 to %scan3A_10 step %scan3A_11  : i32 {
      %get3A = arith.index_cast %scan3A_13 : i32 to index
      %get3A_14 = arith.constant 0 : index
      %get3A_15 = tpu.vector_load %arg4[%get3A, %get3A_14] {strides = array<i32>} : memref<80x128xi32, #tpu.memory_space<vmem>>, vector<16xi32>,
      tpu.vector_store_idx %arg5[%get3A_15], %broadcast_in_dim3A_6 {add = true} : memref<10240xf32, #tpu.memory_space<vmem>>[vector<16xi32>], vector<16xf32>,
      %get3A_16 = arith.index_cast %scan3A_13 : i32 to index
      %get3A_17 = arith.constant 16 : index
      %get3A_18 = tpu.vector_load %arg4[%get3A_16, %get3A_17] {strides = array<i32>} : memref<80x128xi32, #tpu.memory_space<vmem>>, vector<16xi32>,
      tpu.vector_store_idx %arg5[%get3A_18], %broadcast_in_dim3A_6 {add = true} : memref<10240xf32, #tpu.memory_space<vmem>>[vector<16xi32>], vector<16xf32>,
      %get3A_19 = arith.index_cast %scan3A_13 : i32 to index
      %get3A_20 = arith.constant 32 : index
      %get3A_21 = tpu.vector_load %arg4[%get3A_19, %get3A_20] {strides = array<i32>} : memref<80x128xi32, #tpu.memory_space<vmem>>, vector<16xi32>,
      tpu.vector_store_idx %arg5[%get3A_21], %broadcast_in_dim3A_6 {add = true} : memref<10240xf32, #tpu.memory_space<vmem>>[vector<16xi32>], vector<16xf32>,
      %get3A_22 = arith.index_cast %scan3A_13 : i32 to index
      %get3A_23 = arith.constant 48 : index
      %get3A_24 = tpu.vector_load %arg4[%get3A_22, %get3A_23] {strides = array<i32>} : memref<80x128xi32, #tpu.memory_space<vmem>>, vector<16xi32>,
      tpu.vector_store_idx %arg5[%get3A_24], %broadcast_in_dim3A_6 {add = true} : memref<10240xf32, #tpu.memory_space<vmem>>[vector<16xi32>], vector<16xf32>,
      %get3A_25 = arith.index_cast %scan3A_13 : i32 to index
      %get3A_26 = arith.constant 64 : index
      %get3A_27 = tpu.vector_load %arg4[%get3A_25, %get3A_26] {strides = array<i32>} : memref<80x128xi32, #tpu.memory_space<vmem>>, vector<16xi32>,
      tpu.vector_store_idx %arg5[%get3A_27], %broadcast_in_dim3A_6 {add = true} : memref<10240xf32, #tpu.memory_space<vmem>>[vector<16xi32>], vector<16xf32>,
      %get3A_28 = arith.index_cast %scan3A_13 : i32 to index
      %get3A_29 = arith.constant 80 : index
      %get3A_30 = tpu.vector_load %arg4[%get3A_28, %get3A_29] {strides = array<i32>} : memref<80x128xi32, #tpu.memory_space<vmem>>, vector<16xi32>,
      tpu.vector_store_idx %arg5[%get3A_30], %broadcast_in_dim3A_6 {add = true} : memref<10240xf32, #tpu.memory_space<vmem>>[vector<16xi32>], vector<16xf32>,
      %get3A_31 = arith.index_cast %scan3A_13 : i32 to index
      %get3A_32 = arith.constant 96 : index
      %get3A_33 = tpu.vector_load %arg4[%get3A_31, %get3A_32] {strides = array<i32>} : memref<80x128xi32, #tpu.memory_space<vmem>>, vector<16xi32>,
      tpu.vector_store_idx %arg5[%get3A_33], %broadcast_in_dim3A_6 {add = true} : memref<10240xf32, #tpu.memory_space<vmem>>[vector<16xi32>], vector<16xf32>,
      %get3A_34 = arith.index_cast %scan3A_13 : i32 to index
      %get3A_35 = arith.constant 112 : index
      %get3A_36 = tpu.vector_load %arg4[%get3A_34, %get3A_35] {strides = array<i32>} : memref<80x128xi32, #tpu.memory_space<vmem>>, vector<16xi32>,
      tpu.vector_store_idx %arg5[%get3A_36], %broadcast_in_dim3A_6 {add = true} : memref<10240xf32, #tpu.memory_space<vmem>>[vector<16xi32>], vector<16xf32>,
    }
    %scan3A_12 = arith.constant 80 : i32
    "tpu.region"() ({
      %run_scoped3A = tpu.sem_alloc : memref<!tpu.dma_semaphore, #tpu.memory_space<semaphore_mem>>
      %dma_start3A = arith.constant 0 : i32
      %dma_start3A_13 = tpu.memref_slice %arg3[%add3A, %dma_start3A] : memref<32x10240xf32, #tpu.memory_space<hbm>> -> memref<1x10240xf32, #tpu.memory_space<hbm>>
      %dma_start3A_14 = tpu.memref_squeeze %dma_start3A_13 : memref<1x10240xf32, #tpu.memory_space<hbm>> -> memref<10240xf32, #tpu.memory_space<hbm>>
      %dma_start3A_15 = arith.constant 0 : i32
      %dma_start3A_16 = tpu.memref_slice %arg3[%add3A, %dma_start3A_15] : memref<32x10240xf32, #tpu.memory_space<hbm>> -> memref<1x10240xf32, #tpu.memory_space<hbm>>
      %dma_start3A_17 = tpu.memref_squeeze %dma_start3A_16 : memref<1x10240xf32, #tpu.memory_space<hbm>> -> memref<10240xf32, #tpu.memory_space<hbm>>
      tpu.enqueue_dma source(%arg5 : memref<10240xf32, #tpu.memory_space<vmem>>) target(%dma_start3A_17 : memref<10240xf32, #tpu.memory_space<hbm>>) target_semaphore(%run_scoped3A : memref<!tpu.dma_semaphore, #tpu.memory_space<semaphore_mem>>)
      %dma_wait3A = arith.constant 0 : i32
      %dma_wait3A_18 = tpu.memref_slice %arg3[%add3A, %dma_wait3A] : memref<32x10240xf32, #tpu.memory_space<hbm>> -> memref<1x10240xf32, #tpu.memory_space<hbm>>
      %dma_wait3A_19 = tpu.memref_squeeze %dma_wait3A_18 : memref<1x10240xf32, #tpu.memory_space<hbm>> -> memref<10240xf32, #tpu.memory_space<hbm>>
      %dma_wait3A_20 = arith.constant 0 : i32
      %dma_wait3A_21 = tpu.memref_slice %arg3[%add3A, %dma_wait3A_20] : memref<32x10240xf32, #tpu.memory_space<hbm>> -> memref<1x10240xf32, #tpu.memory_space<hbm>>
      %dma_wait3A_22 = tpu.memref_squeeze %dma_wait3A_21 : memref<1x10240xf32, #tpu.memory_space<hbm>> -> memref<10240xf32, #tpu.memory_space<hbm>>
      tpu.wait_dma2 semaphore(%run_scoped3A : memref<!tpu.dma_semaphore, #tpu.memory_space<semaphore_mem>>) src(%arg5 : memref<10240xf32, #tpu.memory_space<vmem>>) dst(%dma_wait3A_22 : memref<10240xf32, #tpu.memory_space<hbm>>)
      tpu.yield
    }) : () -> ()
    return
  }
}

module attributes {stable_mosaic.version = 14 : i64} {
  func.func @_prep_body(%arg0: i32, %arg1: memref<32x640xf32, #tpu.memory_space<vmem>>, %arg2: memref<640x128xf32, #tpu.memory_space<vmem>>, %arg3: memref<2x640x128xf32, #tpu.memory_space<vmem>>, %arg4: memref<640x1xf32, #tpu.memory_space<vmem>>) attributes {dimension_semantics = [#tpu.dimension_semantics<arbitrary>], iteration_bounds = array<i64: 16>, scalar_prefetch = 0 : i64, scratch_operands = 0 : i64, tpu.core_type = #tpu.core_type<tc>, window_params = [{transform_indices = @transform_0, window_bounds = array<i64: 32, 640>}, {transform_indices = @transform_1, window_bounds = array<i64: 640, 128>}, {transform_indices = @transform_2, window_bounds = array<i64: 2, 640, 128>}, {transform_indices = @transform_3, window_bounds = array<i64: 640, 1>}]} {
    %get3A = arith.constant 0 : index
    %get3A_0 = arith.constant 0 : index
    %get3A_1 = vector.load %arg1[%get3A, %get3A_0] : memref<32x640xf32, #tpu.memory_space<vmem>>, vector<32x640xf32>
    %reduce_sum3A = arith.constant dense<0.000000e+00> : vector<640xf32>
    %reduce_sum3A_2 = vector.multi_reduction <add>, %get3A_1, %reduce_sum3A [0] : vector<32x640xf32> to vector<640xf32>
    %add3A = arith.constant 1.000000e+00 : f32
    %add3A_3 = vector.broadcast %add3A : f32 to vector<640xf32>
    %add3A_4 = arith.addf %reduce_sum3A_2, %add3A_3 : vector<640xf32>
    %rsqrt3A = math.rsqrt %add3A_4 : vector<640xf32>
    %broadcast_in_dim3A = vector.shape_cast %rsqrt3A : vector<640xf32> to vector<640x1xf32>
    %get3A_5 = arith.constant 0 : index
    %get3A_6 = arith.constant 0 : index
    %get3A_7 = vector.load %arg2[%get3A_5, %get3A_6] : memref<640x128xf32, #tpu.memory_space<vmem>>, vector<640x128xf32>
    %mul3A = vector.broadcast %broadcast_in_dim3A : vector<640x1xf32> to vector<640x128xf32>
    %mul3A_8 = arith.mulf %get3A_7, %mul3A : vector<640x128xf32>
    %stack3A = vector.shape_cast %mul3A_8 : vector<640x128xf32> to vector<1x640x128xf32>
    %stack3A_9 = vector.shape_cast %mul3A_8 : vector<640x128xf32> to vector<1x640x128xf32>
    %stack3A_10 = tpu.concatenate %stack3A, %stack3A_9 in 0 : vector<1x640x128xf32>, vector<1x640x128xf32> -> vector<2x640x128xf32>
    %swap3A = arith.constant 0 : index
    %swap3A_11 = arith.constant 0 : index
    %swap3A_12 = arith.constant 0 : index
    %swap3A_13 = vector.load %arg3[%swap3A, %swap3A_11, %swap3A_12] : memref<2x640x128xf32, #tpu.memory_space<vmem>>, vector<2x640x128xf32>
    tpu.vector_store %arg3[%swap3A, %swap3A_11, %swap3A_12], %stack3A_10 {strides = array<i32>} : memref<2x640x128xf32, #tpu.memory_space<vmem>>, vector<2x640x128xf32>,
    %swap3A_14 = arith.constant 0 : index
    %swap3A_15 = arith.constant 0 : index
    %swap3A_16 = vector.load %arg4[%swap3A_14, %swap3A_15] : memref<640x1xf32, #tpu.memory_space<vmem>>, vector<640x1xf32>
    tpu.vector_store %arg4[%swap3A_14, %swap3A_15], %broadcast_in_dim3A {strides = array<i32>} : memref<640x1xf32, #tpu.memory_space<vmem>>, vector<640x1xf32>,
    return
  }
  func.func @transform_0(%arg0: i32) -> (i32, i32) {
    %c0_i32 = arith.constant 0 : i32
    %c0_i32_0 = arith.constant 0 : i32
    return %c0_i32, %arg0 : i32, i32
  }
  func.func @transform_1(%arg0: i32) -> (i32, i32) {
    %c0_i32 = arith.constant 0 : i32
    %c0_i32_0 = arith.constant 0 : i32
    return %arg0, %c0_i32 : i32, i32
  }
  func.func @transform_2(%arg0: i32) -> (i32, i32, i32) {
    %c0_i32 = arith.constant 0 : i32
    %c0_i32_0 = arith.constant 0 : i32
    %c0_i32_1 = arith.constant 0 : i32
    return %c0_i32, %arg0, %c0_i32_0 : i32, i32, i32
  }
  func.func @transform_3(%arg0: i32) -> (i32, i32) {
    %c0_i32 = arith.constant 0 : i32
    %c0_i32_0 = arith.constant 0 : i32
    return %arg0, %c0_i32 : i32, i32
  }
}

module attributes {stable_mosaic.version = 14 : i64} {
  func.func @_h_body(%arg0: i32, %arg1: memref<2x640x128xf32, #tpu.memory_space<vmem>>, %arg2: memref<640x1xf32, #tpu.memory_space<vmem>>, %arg3: memref<640x128xf32, #tpu.memory_space<vmem>>, %arg4: memref<128x192xf32, #tpu.memory_space<vmem>>, %arg5: memref<128x96xf32, #tpu.memory_space<vmem>>, %arg6: memref<1x96xf32, #tpu.memory_space<vmem>>, %arg7: memref<4x96x384xf32, #tpu.memory_space<vmem>>, %arg8: memref<4x192x384xf32, #tpu.memory_space<vmem>>, %arg9: memref<1x384xf32, #tpu.memory_space<vmem>>, %arg10: memref<640x384xf32, #tpu.memory_space<vmem>>, %arg11: memref<1x1x384xf32, #tpu.memory_space<vmem>>, %arg12: memref<1x1x384xf32, #tpu.memory_space<vmem>>) attributes {dimension_semantics = [#tpu.dimension_semantics<arbitrary>], iteration_bounds = array<i64: 16>, scalar_prefetch = 0 : i64, scratch_operands = 0 : i64, tpu.core_type = #tpu.core_type<tc>, window_params = [{transform_indices = @transform_0, window_bounds = array<i64: 2, 640, 128>}, {transform_indices = @transform_1, window_bounds = array<i64: 640, 1>}, {transform_indices = @transform_2, window_bounds = array<i64: 640, 128>}, {pipeline_mode = #tpu.pipeline_mode<synchronous>, transform_indices = @transform_3, window_bounds = array<i64: 128, 192>}, {pipeline_mode = #tpu.pipeline_mode<synchronous>, transform_indices = @transform_4, window_bounds = array<i64: 128, 96>}, {pipeline_mode = #tpu.pipeline_mode<synchronous>, transform_indices = @transform_5, window_bounds = array<i64: 1, 96>}, {pipeline_mode = #tpu.pipeline_mode<synchronous>, transform_indices = @transform_6, window_bounds = array<i64: 4, 96, 384>}, {pipeline_mode = #tpu.pipeline_mode<synchronous>, transform_indices = @transform_7, window_bounds = array<i64: 4, 192, 384>}, {pipeline_mode = #tpu.pipeline_mode<synchronous>, transform_indices = @transform_8, window_bounds = array<i64: 1, 384>}, {transform_indices = @transform_9, window_bounds = array<i64: 640, 384>}, {transform_indices = @transform_10, window_bounds = array<i64: 1, 1, 384>}, {transform_indices = @transform_11, window_bounds = array<i64: 1, 1, 384>}]} {
    %get3A = arith.constant 0 : index
    %get3A_0 = arith.constant 0 : index
    %get3A_1 = arith.constant 0 : index
    %get3A_2 = vector.load %arg1[%get3A, %get3A_0, %get3A_1] : memref<2x640x128xf32, #tpu.memory_space<vmem>>, vector<2x640x128xf32>
    %get3A_3 = arith.constant 0 : index
    %get3A_4 = arith.constant 0 : index
    %get3A_5 = vector.load %arg2[%get3A_3, %get3A_4] : memref<640x1xf32, #tpu.memory_space<vmem>>, vector<640x1xf32>
    %get3A_6 = arith.constant 0 : index
    %get3A_7 = arith.constant 0 : index
    %get3A_8 = vector.load %arg3[%get3A_6, %get3A_7] : memref<640x128xf32, #tpu.memory_space<vmem>>, vector<640x128xf32>
    %slice3A = vector.extract_strided_slice %get3A_2 {offsets = [0, 0, 0], sizes = [1, 640, 128], strides = [1, 1, 1]} : vector<2x640x128xf32> to vector<1x640x128xf32>
    %squeeze3A = vector.shape_cast %slice3A : vector<1x640x128xf32> to vector<640x128xf32>
    %slice3A_9 = vector.extract_strided_slice %get3A_2 {offsets = [1, 0, 0], sizes = [1, 640, 128], strides = [1, 1, 1]} : vector<2x640x128xf32> to vector<1x640x128xf32>
    %squeeze3A_10 = vector.shape_cast %slice3A_9 : vector<1x640x128xf32> to vector<640x128xf32>
    %add3A = arith.addf %squeeze3A, %squeeze3A_10 : vector<640x128xf32>
    %mul3A = vector.broadcast %get3A_5 : vector<640x1xf32> to vector<640x128xf32>
    %mul3A_11 = arith.mulf %get3A_8, %mul3A : vector<640x128xf32>
    %sub3A = arith.subf %add3A, %mul3A_11 : vector<640x128xf32>
    %get3A_12 = arith.constant 0 : index
    %get3A_13 = arith.constant 0 : index
    %get3A_14 = vector.load %arg4[%get3A_12, %get3A_13] : memref<128x192xf32, #tpu.memory_space<vmem>>, vector<128x192xf32>
    %dot_general3A = arith.constant dense<0.000000e+00> : vector<640x192xf32>
    %dot_general3A_15 = tpu.matmul %sub3A, %get3A_14, %dot_general3A {dimension_numbers = #tpu.dot_dimension_numbers<[1], [0], [0], [1], [0, 0, 1, 1], [], []>, transpose_lhs_hint = false} : vector<640x128xf32>, vector<128x192xf32>, vector<640x192xf32> -> vector<640x192xf32>
    %mul3A_16 = vector.broadcast %get3A_5 : vector<640x1xf32> to vector<640x192xf32>
    %mul3A_17 = arith.mulf %mul3A_16, %dot_general3A_15 : vector<640x192xf32>
    %get3A_18 = arith.constant 0 : index
    %get3A_19 = arith.constant 0 : index
    %get3A_20 = vector.load %arg5[%get3A_18, %get3A_19] : memref<128x96xf32, #tpu.memory_space<vmem>>, vector<128x96xf32>
    %dot_general3A_21 = arith.constant dense<0.000000e+00> : vector<640x96xf32>
    %dot_general3A_22 = tpu.matmul %get3A_8, %get3A_20, %dot_general3A_21 {dimension_numbers = #tpu.dot_dimension_numbers<[1], [0], [0], [1], [0, 0, 1, 1], [], []>, transpose_lhs_hint = false} : vector<640x128xf32>, vector<128x96xf32>, vector<640x96xf32> -> vector<640x96xf32>
    %get3A_23 = arith.constant 0 : index
    %get3A_24 = arith.constant 0 : index
    %get3A_25 = vector.load %arg6[%get3A_23, %get3A_24] : memref<1x96xf32, #tpu.memory_space<vmem>>, vector<1x96xf32>
    %add3A_26 = vector.broadcast %get3A_25 : vector<1x96xf32> to vector<640x96xf32>
    %add3A_27 = arith.addf %dot_general3A_22, %add3A_26 : vector<640x96xf32>
    %get3A_28 = arith.constant 0 : index
    %get3A_29 = arith.constant 0 : index
    %get3A_30 = arith.constant 0 : index
    %get3A_31 = vector.load %arg7[%get3A_28, %get3A_29, %get3A_30] : memref<4x96x384xf32, #tpu.memory_space<vmem>>, vector<1x96x384xf32>
    %get3A_32 = vector.shape_cast %get3A_31 : vector<1x96x384xf32> to vector<96x384xf32>
    %dot_general3A_33 = arith.constant dense<0.000000e+00> : vector<640x384xf32>
    %dot_general3A_34 = tpu.matmul %add3A_27, %get3A_32, %dot_general3A_33 {dimension_numbers = #tpu.dot_dimension_numbers<[1], [0], [0], [1], [0, 0, 1, 1], [], []>, transpose_lhs_hint = false} : vector<640x96xf32>, vector<96x384xf32>, vector<640x384xf32> -> vector<640x384xf32>
    %get3A_35 = arith.constant 0 : index
    %get3A_36 = arith.constant 0 : index
    %get3A_37 = arith.constant 0 : index
    %get3A_38 = vector.load %arg8[%get3A_35, %get3A_36, %get3A_37] : memref<4x192x384xf32, #tpu.memory_space<vmem>>, vector<1x192x384xf32>
    %get3A_39 = vector.shape_cast %get3A_38 : vector<1x192x384xf32> to vector<192x384xf32>
    %dot_general3A_40 = arith.constant dense<0.000000e+00> : vector<640x384xf32>
    %dot_general3A_41 = tpu.matmul %mul3A_17, %get3A_39, %dot_general3A_40 {dimension_numbers = #tpu.dot_dimension_numbers<[1], [0], [0], [1], [0, 0, 1, 1], [], []>, transpose_lhs_hint = false} : vector<640x192xf32>, vector<192x384xf32>, vector<640x384xf32> -> vector<640x384xf32>
    %mul3A_42 = arith.mulf %dot_general3A_34, %dot_general3A_41 : vector<640x384xf32>
    %get3A_43 = arith.constant 1 : index
    %get3A_44 = arith.constant 0 : index
    %get3A_45 = arith.constant 0 : index
    %get3A_46 = vector.load %arg7[%get3A_43, %get3A_44, %get3A_45] : memref<4x96x384xf32, #tpu.memory_space<vmem>>, vector<1x96x384xf32>
    %get3A_47 = vector.shape_cast %get3A_46 : vector<1x96x384xf32> to vector<96x384xf32>
    %dot_general3A_48 = arith.constant dense<0.000000e+00> : vector<640x384xf32>
    %dot_general3A_49 = tpu.matmul %add3A_27, %get3A_47, %dot_general3A_48 {dimension_numbers = #tpu.dot_dimension_numbers<[1], [0], [0], [1], [0, 0, 1, 1], [], []>, transpose_lhs_hint = false} : vector<640x96xf32>, vector<96x384xf32>, vector<640x384xf32> -> vector<640x384xf32>
    %get3A_50 = arith.constant 1 : index
    %get3A_51 = arith.constant 0 : index
    %get3A_52 = arith.constant 0 : index
    %get3A_53 = vector.load %arg8[%get3A_50, %get3A_51, %get3A_52] : memref<4x192x384xf32, #tpu.memory_space<vmem>>, vector<1x192x384xf32>
    %get3A_54 = vector.shape_cast %get3A_53 : vector<1x192x384xf32> to vector<192x384xf32>
    %dot_general3A_55 = arith.constant dense<0.000000e+00> : vector<640x384xf32>
    %dot_general3A_56 = tpu.matmul %mul3A_17, %get3A_54, %dot_general3A_55 {dimension_numbers = #tpu.dot_dimension_numbers<[1], [0], [0], [1], [0, 0, 1, 1], [], []>, transpose_lhs_hint = false} : vector<640x192xf32>, vector<192x384xf32>, vector<640x384xf32> -> vector<640x384xf32>
    %mul3A_57 = arith.mulf %dot_general3A_49, %dot_general3A_56 : vector<640x384xf32>
    %add3A_58 = arith.addf %mul3A_42, %mul3A_57 : vector<640x384xf32>
    %get3A_59 = arith.constant 2 : index
    %get3A_60 = arith.constant 0 : index
    %get3A_61 = arith.constant 0 : index
    %get3A_62 = vector.load %arg7[%get3A_59, %get3A_60, %get3A_61] : memref<4x96x384xf32, #tpu.memory_space<vmem>>, vector<1x96x384xf32>
    %get3A_63 = vector.shape_cast %get3A_62 : vector<1x96x384xf32> to vector<96x384xf32>
    %dot_general3A_64 = arith.constant dense<0.000000e+00> : vector<640x384xf32>
    %dot_general3A_65 = tpu.matmul %add3A_27, %get3A_63, %dot_general3A_64 {dimension_numbers = #tpu.dot_dimension_numbers<[1], [0], [0], [1], [0, 0, 1, 1], [], []>, transpose_lhs_hint = false} : vector<640x96xf32>, vector<96x384xf32>, vector<640x384xf32> -> vector<640x384xf32>
    %get3A_66 = arith.constant 2 : index
    %get3A_67 = arith.constant 0 : index
    %get3A_68 = arith.constant 0 : index
    %get3A_69 = vector.load %arg8[%get3A_66, %get3A_67, %get3A_68] : memref<4x192x384xf32, #tpu.memory_space<vmem>>, vector<1x192x384xf32>
    %get3A_70 = vector.shape_cast %get3A_69 : vector<1x192x384xf32> to vector<192x384xf32>
    %dot_general3A_71 = arith.constant dense<0.000000e+00> : vector<640x384xf32>
    %dot_general3A_72 = tpu.matmul %mul3A_17, %get3A_70, %dot_general3A_71 {dimension_numbers = #tpu.dot_dimension_numbers<[1], [0], [0], [1], [0, 0, 1, 1], [], []>, transpose_lhs_hint = false} : vector<640x192xf32>, vector<192x384xf32>, vector<640x384xf32> -> vector<640x384xf32>
    %mul3A_73 = arith.mulf %dot_general3A_65, %dot_general3A_72 : vector<640x384xf32>
    %add3A_74 = arith.addf %add3A_58, %mul3A_73 : vector<640x384xf32>
    %get3A_75 = arith.constant 3 : index
    %get3A_76 = arith.constant 0 : index
    %get3A_77 = arith.constant 0 : index
    %get3A_78 = vector.load %arg7[%get3A_75, %get3A_76, %get3A_77] : memref<4x96x384xf32, #tpu.memory_space<vmem>>, vector<1x96x384xf32>
    %get3A_79 = vector.shape_cast %get3A_78 : vector<1x96x384xf32> to vector<96x384xf32>
    %dot_general3A_80 = arith.constant dense<0.000000e+00> : vector<640x384xf32>
    %dot_general3A_81 = tpu.matmul %add3A_27, %get3A_79, %dot_general3A_80 {dimension_numbers = #tpu.dot_dimension_numbers<[1], [0], [0], [1], [0, 0, 1, 1], [], []>, transpose_lhs_hint = false} : vector<640x96xf32>, vector<96x384xf32>, vector<640x384xf32> -> vector<640x384xf32>
    %get3A_82 = arith.constant 3 : index
    %get3A_83 = arith.constant 0 : index
    %get3A_84 = arith.constant 0 : index
    %get3A_85 = vector.load %arg8[%get3A_82, %get3A_83, %get3A_84] : memref<4x192x384xf32, #tpu.memory_space<vmem>>, vector<1x192x384xf32>
    %get3A_86 = vector.shape_cast %get3A_85 : vector<1x192x384xf32> to vector<192x384xf32>
    %dot_general3A_87 = arith.constant dense<0.000000e+00> : vector<640x384xf32>
    %dot_general3A_88 = tpu.matmul %mul3A_17, %get3A_86, %dot_general3A_87 {dimension_numbers = #tpu.dot_dimension_numbers<[1], [0], [0], [1], [0, 0, 1, 1], [], []>, transpose_lhs_hint = false} : vector<640x192xf32>, vector<192x384xf32>, vector<640x384xf32> -> vector<640x384xf32>
    %mul3A_89 = arith.mulf %dot_general3A_81, %dot_general3A_88 : vector<640x384xf32>
    %add3A_90 = arith.addf %add3A_74, %mul3A_89 : vector<640x384xf32>
    %get3A_91 = arith.constant 0 : index
    %get3A_92 = arith.constant 0 : index
    %get3A_93 = vector.load %arg9[%get3A_91, %get3A_92] : memref<1x384xf32, #tpu.memory_space<vmem>>, vector<1x384xf32>
    %add3A_94 = vector.broadcast %get3A_93 : vector<1x384xf32> to vector<640x384xf32>
    %add3A_95 = arith.addf %add3A_90, %add3A_94 : vector<640x384xf32>
    %swap3A = arith.constant 0 : index
    %swap3A_96 = arith.constant 0 : index
    %swap3A_97 = vector.load %arg10[%swap3A, %swap3A_96] : memref<640x384xf32, #tpu.memory_space<vmem>>, vector<640x384xf32>
    tpu.vector_store %arg10[%swap3A, %swap3A_96], %add3A_95 {strides = array<i32>} : memref<640x384xf32, #tpu.memory_space<vmem>>, vector<640x384xf32>,
    %iota3A = tpu.iota {dimensions = array<i32: 0>} : vector<640x1xi32>
    %mul3A_98 = arith.constant 640 : i32
    %mul3A_99 = arith.muli %arg0, %mul3A_98 : i32
    %add3A_100 = vector.broadcast %mul3A_99 : i32 to vector<640x1xi32>
    %add3A_101 = arith.addi %iota3A, %add3A_100 : vector<640x1xi32>
    %lt3A = arith.constant 10000 : i32
    %lt3A_102 = vector.broadcast %lt3A : i32 to vector<640x1xi32>
    %lt3A_103 = arith.cmpi slt, %add3A_101, %lt3A_102 : vector<640x1xi32>
    %jit3A = arith.constant 0.000000e+00 : f32
    %broadcast_in_dim3A = vector.shape_cast %lt3A_103 : vector<640x1xi1> to vector<640x1xi1>
    %broadcast_in_dim3A_104 = vector.broadcast %broadcast_in_dim3A : vector<640x1xi1> to vector<640x384xi1>
    %broadcast_in_dim3A_105 = vector.broadcast %jit3A : f32 to vector<640x384xf32>
    %select_n3A = arith.select %broadcast_in_dim3A_104, %add3A_95, %broadcast_in_dim3A_105 : vector<640x384xi1>, vector<640x384xf32>
    %reduce_sum3A = arith.constant dense<0.000000e+00> : vector<384xf32>
    %reduce_sum3A_106 = vector.multi_reduction <add>, %select_n3A, %reduce_sum3A [0] : vector<640x384xf32> to vector<384xf32>
    %broadcast_in_dim3A_107 = vector.shape_cast %reduce_sum3A_106 : vector<384xf32> to vector<1x384xf32>
    %broadcast_in_dim3A_108 = vector.shape_cast %broadcast_in_dim3A_107 : vector<1x384xf32> to vector<1x1x384xf32>
    %swap3A_109 = arith.constant 0 : index
    %swap3A_110 = arith.constant 0 : index
    %swap3A_111 = arith.constant 0 : index
    %swap3A_112 = vector.load %arg11[%swap3A_109, %swap3A_110, %swap3A_111] : memref<1x1x384xf32, #tpu.memory_space<vmem>>, vector<1x1x384xf32>
    tpu.vector_store %arg11[%swap3A_109, %swap3A_110, %swap3A_111], %broadcast_in_dim3A_108 {strides = array<i32>} : memref<1x1x384xf32, #tpu.memory_space<vmem>>, vector<1x1x384xf32>,
    %mul3A_113 = arith.mulf %select_n3A, %select_n3A : vector<640x384xf32>
    %reduce_sum3A_114 = arith.constant dense<0.000000e+00> : vector<384xf32>
    %reduce_sum3A_115 = vector.multi_reduction <add>, %mul3A_113, %reduce_sum3A_114 [0] : vector<640x384xf32> to vector<384xf32>
    %broadcast_in_dim3A_116 = vector.shape_cast %reduce_sum3A_115 : vector<384xf32> to vector<1x384xf32>
    %broadcast_in_dim3A_117 = vector.shape_cast %broadcast_in_dim3A_116 : vector<1x384xf32> to vector<1x1x384xf32>
    %swap3A_118 = arith.constant 0 : index
    %swap3A_119 = arith.constant 0 : index
    %swap3A_120 = arith.constant 0 : index
    %swap3A_121 = vector.load %arg12[%swap3A_118, %swap3A_119, %swap3A_120] : memref<1x1x384xf32, #tpu.memory_space<vmem>>, vector<1x1x384xf32>
    tpu.vector_store %arg12[%swap3A_118, %swap3A_119, %swap3A_120], %broadcast_in_dim3A_117 {strides = array<i32>} : memref<1x1x384xf32, #tpu.memory_space<vmem>>, vector<1x1x384xf32>,
    return
  }
  func.func @transform_0(%arg0: i32) -> (i32, i32, i32) {
    %c0_i32 = arith.constant 0 : i32
    %c0_i32_0 = arith.constant 0 : i32
    %c0_i32_1 = arith.constant 0 : i32
    return %c0_i32, %arg0, %c0_i32_0 : i32, i32, i32
  }
  func.func @transform_1(%arg0: i32) -> (i32, i32) {
    %c0_i32 = arith.constant 0 : i32
    %c0_i32_0 = arith.constant 0 : i32
    return %arg0, %c0_i32 : i32, i32
  }
  func.func @transform_2(%arg0: i32) -> (i32, i32) {
    %c0_i32 = arith.constant 0 : i32
    %c0_i32_0 = arith.constant 0 : i32
    return %arg0, %c0_i32 : i32, i32
  }
  func.func @transform_3(%arg0: i32) -> (i32, i32) {
    %c0_i32 = arith.constant 0 : i32
    %c0_i32_0 = arith.constant 0 : i32
    %c0_i32_1 = arith.constant 0 : i32
    return %c0_i32, %c0_i32_0 : i32, i32
  }
  func.func @transform_4(%arg0: i32) -> (i32, i32) {
    %c0_i32 = arith.constant 0 : i32
    %c0_i32_0 = arith.constant 0 : i32
    %c0_i32_1 = arith.constant 0 : i32
    return %c0_i32, %c0_i32_0 : i32, i32
  }
  func.func @transform_5(%arg0: i32) -> (i32, i32) {
    %c0_i32 = arith.constant 0 : i32
    %c0_i32_0 = arith.constant 0 : i32
    %c0_i32_1 = arith.constant 0 : i32
    return %c0_i32, %c0_i32_0 : i32, i32
  }
  func.func @transform_6(%arg0: i32) -> (i32, i32, i32) {
    %c0_i32 = arith.constant 0 : i32
    %c0_i32_0 = arith.constant 0 : i32
    %c0_i32_1 = arith.constant 0 : i32
    %c0_i32_2 = arith.constant 0 : i32
    return %c0_i32, %c0_i32_0, %c0_i32_1 : i32, i32, i32
  }
  func.func @transform_7(%arg0: i32) -> (i32, i32, i32) {
    %c0_i32 = arith.constant 0 : i32
    %c0_i32_0 = arith.constant 0 : i32
    %c0_i32_1 = arith.constant 0 : i32
    %c0_i32_2 = arith.constant 0 : i32
    return %c0_i32, %c0_i32_0, %c0_i32_1 : i32, i32, i32
  }
  func.func @transform_8(%arg0: i32) -> (i32, i32) {
    %c0_i32 = arith.constant 0 : i32
    %c0_i32_0 = arith.constant 0 : i32
    %c0_i32_1 = arith.constant 0 : i32
    return %c0_i32, %c0_i32_0 : i32, i32
  }
  func.func @transform_9(%arg0: i32) -> (i32, i32) {
    %c0_i32 = arith.constant 0 : i32
    %c0_i32_0 = arith.constant 0 : i32
    return %arg0, %c0_i32 : i32, i32
  }
  func.func @transform_10(%arg0: i32) -> (i32, i32, i32) {
    %c0_i32 = arith.constant 0 : i32
    %c0_i32_0 = arith.constant 0 : i32
    %c0_i32_1 = arith.constant 0 : i32
    return %arg0, %c0_i32, %c0_i32_0 : i32, i32, i32
  }
  func.func @transform_11(%arg0: i32) -> (i32, i32, i32) {
    %c0_i32 = arith.constant 0 : i32
    %c0_i32_0 = arith.constant 0 : i32
    %c0_i32_1 = arith.constant 0 : i32
    return %arg0, %c0_i32, %c0_i32_0 : i32, i32, i32
  }
}

module attributes {stable_mosaic.version = 14 : i64} {
  func.func @_out_body(%arg0: i32, %arg1: memref<640x384xf32, #tpu.memory_space<vmem>>, %arg2: memref<640x128xf32, #tpu.memory_space<vmem>>, %arg3: memref<1x384xf32, #tpu.memory_space<vmem>>, %arg4: memref<1x384xf32, #tpu.memory_space<vmem>>, %arg5: memref<128x128xf32, #tpu.memory_space<vmem>>, %arg6: memref<384x128xf32, #tpu.memory_space<vmem>>, %arg7: memref<1x128xf32, #tpu.memory_space<vmem>>, %arg8: memref<640x128xf32, #tpu.memory_space<vmem>>) attributes {dimension_semantics = [#tpu.dimension_semantics<arbitrary>], iteration_bounds = array<i64: 16>, scalar_prefetch = 0 : i64, scratch_operands = 0 : i64, tpu.core_type = #tpu.core_type<tc>, window_params = [{transform_indices = @transform_0, window_bounds = array<i64: 640, 384>}, {transform_indices = @transform_1, window_bounds = array<i64: 640, 128>}, {pipeline_mode = #tpu.pipeline_mode<synchronous>, transform_indices = @transform_2, window_bounds = array<i64: 1, 384>}, {pipeline_mode = #tpu.pipeline_mode<synchronous>, transform_indices = @transform_3, window_bounds = array<i64: 1, 384>}, {pipeline_mode = #tpu.pipeline_mode<synchronous>, transform_indices = @transform_4, window_bounds = array<i64: 128, 128>}, {pipeline_mode = #tpu.pipeline_mode<synchronous>, transform_indices = @transform_5, window_bounds = array<i64: 384, 128>}, {pipeline_mode = #tpu.pipeline_mode<synchronous>, transform_indices = @transform_6, window_bounds = array<i64: 1, 128>}, {transform_indices = @transform_7, window_bounds = array<i64: 640, 128>}]} {
    %get3A = arith.constant 0 : index
    %get3A_0 = arith.constant 0 : index
    %get3A_1 = vector.load %arg1[%get3A, %get3A_0] : memref<640x384xf32, #tpu.memory_space<vmem>>, vector<640x384xf32>
    %get3A_2 = arith.constant 0 : index
    %get3A_3 = arith.constant 0 : index
    %get3A_4 = vector.load %arg3[%get3A_2, %get3A_3] : memref<1x384xf32, #tpu.memory_space<vmem>>, vector<1x384xf32>
    %mul3A = vector.broadcast %get3A_4 : vector<1x384xf32> to vector<640x384xf32>
    %mul3A_5 = arith.mulf %get3A_1, %mul3A : vector<640x384xf32>
    %get3A_6 = arith.constant 0 : index
    %get3A_7 = arith.constant 0 : index
    %get3A_8 = vector.load %arg4[%get3A_6, %get3A_7] : memref<1x384xf32, #tpu.memory_space<vmem>>, vector<1x384xf32>
    %add3A = vector.broadcast %get3A_8 : vector<1x384xf32> to vector<640x384xf32>
    %add3A_9 = arith.addf %mul3A_5, %add3A : vector<640x384xf32>
    %max3A = arith.constant 0.000000e+00 : f32
    %max3A_10 = vector.broadcast %max3A : f32 to vector<640x384xf32>
    %max3A_11 = arith.maximumf %add3A_9, %max3A_10 : vector<640x384xf32>
    %get3A_12 = arith.constant 0 : index
    %get3A_13 = arith.constant 0 : index
    %get3A_14 = vector.load %arg2[%get3A_12, %get3A_13] : memref<640x128xf32, #tpu.memory_space<vmem>>, vector<640x128xf32>
    %get3A_15 = arith.constant 0 : index
    %get3A_16 = arith.constant 0 : index
    %get3A_17 = vector.load %arg5[%get3A_15, %get3A_16] : memref<128x128xf32, #tpu.memory_space<vmem>>, vector<128x128xf32>
    %dot_general3A = arith.constant dense<0.000000e+00> : vector<640x128xf32>
    %dot_general3A_18 = tpu.matmul %get3A_14, %get3A_17, %dot_general3A {dimension_numbers = #tpu.dot_dimension_numbers<[1], [0], [0], [1], [0, 0, 1, 1], [], []>, transpose_lhs_hint = false} : vector<640x128xf32>, vector<128x128xf32>, vector<640x128xf32> -> vector<640x128xf32>
    %get3A_19 = arith.constant 0 : index
    %get3A_20 = arith.constant 0 : index
    %get3A_21 = vector.load %arg6[%get3A_19, %get3A_20] : memref<384x128xf32, #tpu.memory_space<vmem>>, vector<384x128xf32>
    %dot_general3A_22 = arith.constant dense<0.000000e+00> : vector<640x128xf32>
    %dot_general3A_23 = tpu.matmul %max3A_11, %get3A_21, %dot_general3A_22 {dimension_numbers = #tpu.dot_dimension_numbers<[1], [0], [0], [1], [0, 0, 1, 1], [], []>, transpose_lhs_hint = false} : vector<640x384xf32>, vector<384x128xf32>, vector<640x128xf32> -> vector<640x128xf32>
    %add3A_24 = arith.addf %dot_general3A_18, %dot_general3A_23 : vector<640x128xf32>
    %get3A_25 = arith.constant 0 : index
    %get3A_26 = arith.constant 0 : index
    %get3A_27 = vector.load %arg7[%get3A_25, %get3A_26] : memref<1x128xf32, #tpu.memory_space<vmem>>, vector<1x128xf32>
    %add3A_28 = vector.broadcast %get3A_27 : vector<1x128xf32> to vector<640x128xf32>
    %add3A_29 = arith.addf %add3A_24, %add3A_28 : vector<640x128xf32>
    %swap3A = arith.constant 0 : index
    %swap3A_30 = arith.constant 0 : index
    %swap3A_31 = vector.load %arg8[%swap3A, %swap3A_30] : memref<640x128xf32, #tpu.memory_space<vmem>>, vector<640x128xf32>
    tpu.vector_store %arg8[%swap3A, %swap3A_30], %add3A_29 {strides = array<i32>} : memref<640x128xf32, #tpu.memory_space<vmem>>, vector<640x128xf32>,
    return
  }
  func.func @transform_0(%arg0: i32) -> (i32, i32) {
    %c0_i32 = arith.constant 0 : i32
    %c0_i32_0 = arith.constant 0 : i32
    return %arg0, %c0_i32 : i32, i32
  }
  func.func @transform_1(%arg0: i32) -> (i32, i32) {
    %c0_i32 = arith.constant 0 : i32
    %c0_i32_0 = arith.constant 0 : i32
    return %arg0, %c0_i32 : i32, i32
  }
  func.func @transform_2(%arg0: i32) -> (i32, i32) {
    %c0_i32 = arith.constant 0 : i32
    %c0_i32_0 = arith.constant 0 : i32
    %c0_i32_1 = arith.constant 0 : i32
    return %c0_i32, %c0_i32_0 : i32, i32
  }
  func.func @transform_3(%arg0: i32) -> (i32, i32) {
    %c0_i32 = arith.constant 0 : i32
    %c0_i32_0 = arith.constant 0 : i32
    %c0_i32_1 = arith.constant 0 : i32
    return %c0_i32, %c0_i32_0 : i32, i32
  }
  func.func @transform_4(%arg0: i32) -> (i32, i32) {
    %c0_i32 = arith.constant 0 : i32
    %c0_i32_0 = arith.constant 0 : i32
    %c0_i32_1 = arith.constant 0 : i32
    return %c0_i32, %c0_i32_0 : i32, i32
  }
  func.func @transform_5(%arg0: i32) -> (i32, i32) {
    %c0_i32 = arith.constant 0 : i32
    %c0_i32_0 = arith.constant 0 : i32
    %c0_i32_1 = arith.constant 0 : i32
    return %c0_i32, %c0_i32_0 : i32, i32
  }
  func.func @transform_6(%arg0: i32) -> (i32, i32) {
    %c0_i32 = arith.constant 0 : i32
    %c0_i32_0 = arith.constant 0 : i32
    %c0_i32_1 = arith.constant 0 : i32
    return %c0_i32, %c0_i32_0 : i32, i32
  }
  func.func @transform_7(%arg0: i32) -> (i32, i32) {
    %c0_i32 = arith.constant 0 : i32
    %c0_i32_0 = arith.constant 0 : i32
    return %arg0, %c0_i32 : i32, i32
  }
}

</mosaic_0001>

<sc_bundles>
// kernel: kernel.10.cloned.1.call-start
scs
__scs_entry_jumppad:
0x0: {  	(pc) =	sbr.rel $0x88, $3  }
0x1: {  	(tag) =	ssettag $0x0;
	lr =	simm.s32 $0x1  }
0x2: {  	[smem:$0x3F8B] =	sst lr;
	_ =	strace $0xD0000000  }
0x3: {  	_ = 	snop  }
0x4: {  	_ = 	snop  }
0x5: {  	_ = 	snop  }
0x6: {  	_ = 	snop  }
0x7: {  	_ = 	snop  }
__scs_overlays_trampoline_lowered:
0x8: {  	[smem:$0x3F9A] =	sst s0  }
0x9: {  	[smem:$0x3F9B] =	sst s1  }
0xa: {  	[smem:$0x3F9C] =	sst s2  }
0xb: {  	[smem:$0x3F9D] =	sst s3  }
0xc: {  	[smem:$0x3F9E] =	sst s4  }
0xd: {  	[smem:$0x3F9F] =	sst s5  }
0xe: {  	[smem:$0x3FA0] =	sst s6  }
0xf: {  	[smem:$0x3FA1] =	sst s7  }
0x10: {  	[smem:$0x3FA2] =	sst s8  }
0x11: {  	[smem:$0x3FA3] =	sst s9;
	s0 =	simm.s32 @!p0 $0x0  }
0x12: {  	s1 =	sld [smem:$0x3F89];
	s0 =	simm.s32 @p0 $0x1  }
0x13: {  	[smem:$0x3FA4] =	sst s0;
	s0 =	simm.s32 @!p1 $0x0  }
0x14: {  	s2 =	sld [smem:$0x3F88];
	s0 =	simm.s32 @p1 $0x1  }
0x15: {  	[smem:$0x3FA5] =	sst s0;
	s0 =	simm.s32 @!p2 $0x0  }
0x16: {  	s3 =	sld [smem:$0x3FDB];
	s0 =	simm.s32 @p2 $0x1  }
0x17: {  	s4 =	simm.s32 $0x1BF5;
	[smem:$0x3FA7] =	sst s0  }
0x18: {  	s0 =	sld [smem:$0x3F8A];
	_ =	swait.ge [sflag:s4], $0x0  }
0x19: {  	s7 =	sld [smem:$0x3F8B]  }
0x1a: {  	s8 =	sadd.s32 $0xFFFFE003, lr  }
0x1b: {  	s9 =	sadd.s32 $0xFFFFFEF7, lr;
	s5 =	simm.s32 $0xFFFFFFFF;
	p2 =	slt.u32 s8, $0xFFFFF086  }
0x1c: {  	p1 =	slt.u32 s9, $0xF7A;
	s5 =	simm.s32 @!p2 $0x0  }
0x1d: {  	s5 =	simm.s32 @p1 $0x1;
	p0 =	seq.s32 s7, s2  }
0x1e: {  	s7 =	smul.u32 @!p0 $0xF7A, s2;
	p2 =	seq.s32 @!p0 s5, $0x0  }
0x1f: {  	s9 =	smul.u32 $0xF7A, s1;
	s8 =	simm.s32 @!p0 $0x1BF5;
	p2 =	por !p2, p0  }
0x20: {  	[sflag:s8] =	ssyncset.s32 @!p0 $0xFFFFF086;
	s6 =	sadd.s32 @!p0 s3, s7;
	s7 =	simm.s32 @!p0 $0x108  }
0x21: {  	s3 =	sadd.s32 s3, s9;
	s6 =	sadd.s32 @!p0 $0x88, s6;
	s7 =	simm.s32 @p2 $0x1082  }
0x22: {  	[simem:s7], [sflag:s8] =	dma.local @!p0 [hbm:s6], $0xF7A  }
0x23: {  	s9 =	sor.u32 $0xD0000000, s2;
	s6 =	simm.s32 $0x108;
	_ =	swait.ge @!p0 [sflag:s8], $0x0  }
0x24: {  	s3 =	sadd.s32 $0x88, s3;
	s6 =	simm.s32 @!p1 $0x1082;
	[sflag:s4] =	ssyncset.s32 $0xFFFFF086  }
0x25: {  	[simem:s6], [sflag:s4] =	dma.local [hbm:s3], $0xF7A  }
0x26: {  	[smem:$0x3F8B] =	sst s1;
	(tag) =	ssettag s2;
	_ =	strace s9  }
0x27: {  	s1 =	sld [smem:$0x3F9B]  }
0x28: {  	s2 =	sld [smem:$0x3F9C]  }
0x29: {  	s4 =	sld [smem:$0x3F9E]  }
0x2a: {  	p0 =	seq.s32 s5, $0x0;
	s5 =	sld [smem:$0x3F9F]  }
0x2b: {  	s6 =	sld [smem:$0x3FA0]  }
0x2c: {  	s7 =	sld [smem:$0x3FA1]  }
0x2d: {  	s3 =	simm.s32 $0x108;
	s8 =	sld [smem:$0x3FA2]  }
0x2e: {  	s3 =	simm.s32 @!p0 $0x1082;
	s9 =	sld [smem:$0x3FA3]  }
0x2f: {  	lr =	sadd.s32 s0, s3;
	s0 =	sld [smem:$0x3F9A]  }
0x30: {  	s3 =	sld [smem:$0x3F9D]  }
0x31: {  	[smem:$0x3FA6] =	sst s10  }
0x32: {  	s10 =	sld [smem:$0x3FA4];
	_ =	sdelay $0x3  }
0x33: {  	p0 =	seq.s32 s10, $0x1;
	s10 =	sld [smem:$0x3FA6];
	_ =	sdelay $0x3  }
0x34: {  	[smem:$0x3FA6] =	sst s10  }
0x35: {  	s10 =	sld [smem:$0x3FA5];
	_ =	sdelay $0x3  }
0x36: {  	p1 =	seq.s32 s10, $0x1;
	s10 =	sld [smem:$0x3FA6];
	_ =	sdelay $0x3  }
0x37: {  	[smem:$0x3FA6] =	sst s10  }
0x38: {  	s10 =	sld [smem:$0x3FA7]  }
0x39: {  	_ = 	snop;
	(pc) =	sbr.ind lr, $3  }
0x3a: {  	_ = 	snop  }
0x3b: {  	_ = 	snop  }
0x3c: {  	p2 =	seq.s32 s10, $0x1;
	s10 =	sld [smem:$0x3FA6]  }
0x3d: {  	_ =	shalt  }
0x3e: {  	_ =	shalt  }
0x3f: {  	_ =	shalt  }
0x40: {  	_ =	shalt  }
0x41: {  	_ =	shalt  }
0x42: {  	_ =	shalt  }
0x43: {  	_ =	shalt  }
0x44: {  	_ =	shalt  }
0x45: {  	_ =	shalt  }
0x46: {  	_ =	shalt  }
0x47: {  	_ =	shalt  }
0x48: {  	_ =	shalt  }
0x49: {  	_ =	shalt  }
0x4a: {  	_ =	shalt  }
0x4b: {  	_ =	shalt  }
0x4c: {  	_ =	shalt  }
0x4d: {  	_ =	shalt  }
0x4e: {  	_ =	shalt  }
0x4f: {  	_ =	shalt  }
0x50: {  	_ =	shalt  }
0x51: {  	_ =	shalt  }
0x52: {  	_ =	shalt  }
0x53: {  	_ =	shalt  }
0x54: {  	_ =	shalt  }
0x55: {  	_ =	shalt  }
0x56: {  	_ =	shalt  }
0x57: {  	_ =	shalt  }
0x58: {  	_ =	shalt  }
0x59: {  	_ =	shalt  }
0x5a: {  	_ =	shalt  }
0x5b: {  	_ =	shalt  }
0x5c: {  	_ =	shalt  }
0x5d: {  	_ =	shalt  }
0x5e: {  	_ =	shalt  }
0x5f: {  	_ =	shalt  }
0x60: {  	_ =	shalt  }
0x61: {  	_ =	shalt  }
0x62: {  	_ =	shalt  }
0x63: {  	_ =	shalt  }
0x64: {  	_ =	shalt  }
0x65: {  	_ =	shalt  }
0x66: {  	_ =	shalt  }
0x67: {  	_ =	shalt  }
0x68: {  	_ =	shalt  }
0x69: {  	_ =	shalt  }
0x6a: {  	_ =	shalt  }
0x6b: {  	_ =	shalt  }
0x6c: {  	_ =	shalt  }
0x6d: {  	_ =	shalt  }
0x6e: {  	_ =	shalt  }
0x6f: {  	_ =	shalt  }
0x70: {  	_ =	shalt  }
0x71: {  	_ =	shalt  }
0x72: {  	_ =	shalt  }
0x73: {  	_ =	shalt  }
0x74: {  	_ =	shalt  }
0x75: {  	_ =	shalt  }
0x76: {  	_ =	shalt  }
0x77: {  	_ =	shalt  }
0x78: {  	_ =	shalt  }
0x79: {  	_ =	shalt  }
0x7a: {  	_ =	shalt  }
0x7b: {  	_ =	shalt  }
0x7c: {  	_ =	shalt  }
0x7d: {  	_ =	shalt  }
0x7e: {  	_ =	shalt  }
0x7f: {  	_ =	shalt  }
0x80: {  	_ =	shalt  }
0x81: {  	_ =	shalt  }
0x82: {  	_ =	shalt  }
0x83: {  	_ =	shalt  }
0x84: {  	_ =	shalt  }
0x85: {  	_ =	shalt  }
0x86: {  	_ =	shalt  }
0x87: {  	_ =	shalt  }
.Lfunc_end0:
.L_simem_size_0:
called_computation.1_lowered:
.L_overlay_start_0:
0x88: {  	s2 =	sld [smem:$0x3FD9]  }
0x89: {  	s3 =	sld [smem:$0x3FFE];
	_ =	sdelay $0x1  }
0x8a: {  	s1 =	srdreg.scid  }
0x8b: {  	s0 =	sand.u32 $0x1, s1  }
0x8c: {  	s17 =	sshll.u32 s0, $0xA;
	s2 =	sadd.s32 s3, s2  }
0x8d: {  	s2 =	sadd.s32 s2, s17  }
0x8e: {  	[smem:$0x3FB2] =	sst s2  }
0x8f: {  	_ = 	snop  }
0x90: {  	s2 =	sld [smem:$0x3FD0];
	(tm) =	ssettm $0x1  }
0x91: {  	s18 =	sld [smem:$0x3FFB];
	_ =	sdelay $0x3  }
0x92: {  	_ =	strace s18  }
0x93: {  	s3 =	sld [smem:$0x3FFC];
	_ =	sdelay $0x3  }
0x94: {  	_ =	strace s3  }
0x95: {  	s3 =	sld [smem:$0x3FFD];
	_ =	sdelay $0x3  }
0x96: {  	_ =	strace s3  }
0x97: {  	_ =	strace $0x8FFFFFFF  }
0x98: {  	s19 =	sld [smem:$0x3FDB];
	_ =	sdelay $0x1  }
0x99: {  	s4 =	simm.s32 $_scs_section_size  }
0x9a: {  	s5 =	simm.s32 $_size__tile_overlayer_lowered;
	s6 =	simm.s32 $_tile_overlayer_lowered  }
0x9b: {  	s22 =	simm.s32 $0x1BFF;
	s21 =	sshll.u32 s6, $0x1;
	s3 =	sadd.s32 s4, s19  }
0x9c: {  	s7 =	simm.s32 $0x0;
	s20 =	sshll.u32 s5, $0x1;
	s5 =	sadd.s32 s21, s3  }
0x9d: {  	[timem:s7], [sflag:s22] =	dma.local [hbm:s5], s20  }
0x9e: {  	_ =	swait.ge [sflag:s22], s20  }
0x9f: {  	s4 =	ssub.s32 $0x0, s20;
	[sflag:s22] =	ssyncset.done $0x0  }
0xa0: {  	[sflag:s22] =	ssyncadd.s32 s4;
	_ =	sdelay $0x1  }
0xa1: {  	s23 =	simm.s32 $0x1B8B  }
0xa2: {  	_ =	swait.ge [sflag:s23], $0x1  }
0xa3: {  	[sflag:s23] =	ssyncset.done $0x0  }
0xa4: {  	s25 =	simm.s32 $0x1B8E;
	s24 =	sld [smem:$0x3FFE];
	[sflag:s23] =	ssyncadd.s32 $0xFFFFFFFF  }
0xa5: {  	s26 =	simm.s32 $execute0_lowered;
	[smem:$0x3FD2] =	sst s25  }
0xa6: {  	s5 =	sshll.u32 s26, $0x1;
	_ =	strace $0x80000049;
	[dreg:$0x1] =	wrdreg $0xFFFFFFFF  }
0xa7: {  	s28 =	simm.s32 $_size_execute0_lowered;
	s3 =	sadd.s32 s3, s5;
	[dreg:$0x0] =	wrdreg $0x0  }
0xa8: {  	s5 =	sshll.u32 s28, $0x1;
	[dreg:$0x2] =	wrdreg s3  }
0xa9: {  	[dreg:$0x3] =	wrdreg s5  }
0xaa: {  	[dreg:$0x4] =	wrdreg $0xC0  }
0xab: {  	_ =	task [dreg:s7], $0x5FFFF  }
0xac: {  	[dreg:$0x1] =	wrdreg $0xFFFFFFFF  }
0xad: {  	[dreg:$0x0] =	wrdreg $0x60  }
0xae: {  	[dreg:$0x2] =	wrdreg s2  }
0xaf: {  	[dreg:$0x3] =	wrdreg s24  }
0xb0: {  	[dreg:$0x4] =	wrdreg $0xA8000  }
0xb1: {  	[dreg:$0x5] =	wrdreg $0x9  }
0xb2: {  	_ =	task.clear_ibuf [dreg:s7], $0x6FFFF;
	_ =	strace $0x90000049  }
0xb3: {  	s29 =	simm.s32 $0x9;
	_ =	strace $0x8000004B  }
0xb4: {  	_ =	swait.ge [sflag:s29], $0x1  }
0xb5: {  	[sflag:s29] =	ssyncadd.s32 $0xFFFFFFFF  }
0xb6: {  	_ =	strace $0x9000004B  }
0xb7: {  	_ =	sfence  }
0xb8: {  	s30 =	sld [smem:$0x0];
	_ =	sdelay $0x2  }
0xb9: {  	s31 =	sshll.u32 s1, $0xD;
	s1 =	sshrl.u32 s1, $0x2  }
0xba: {  	s3 =	sand.u32 $0x4000, s31;
	s1 =	sadd.s32 s1, s30  }
0xbb: {  	s0 =	sor.u32 s3, s0;
	s1 =	sshll.u32 s1, $0x11  }
0xbc: {  	s0 =	sor.u32 s1, s0  }
0xbd: {  	s0 =	sadd.s32 $0x8F2B, s0  }
0xbe: {  	[sflag:s0] =	ssyncadd.remote.s32 $0x1  }
0xbf: {  	_ =	sfence.sel $0xFFFF  }
0xc0: {  	[dreg:$0x0] =	wrdreg $0xFFFFFFFF;
	(pc) =	sbr.abs _section_cstart, $3  }
0xc1: {  	[dreg:$0x1] =	wrdreg $0xFFFFFFFF  }
0xc2: {  	_ =	task.clear_ibuf [dreg:s7], $0x2FFFF;
	_ =	strace $0x9FFFFFFF  }
0xc3: {  	(tm) =	ssettm $0x7FFFFFFF  }
tec
execute0_lowered:
.L_overlay_start_1:
0x0: {  	(tag) =	ssettag $0x1  }
0x1: {  	s9 =	rddreg [dreg:$0x0]  }
0x2: {  	s5 =	rddreg [dreg:$0x1]  }
0x3: {  	s1 =	rddreg [dreg:$0x2]  }
0x4: {  	s0 =	rddreg [dreg:$0x3];
	s3 =	simm.s32 $0x0;
	s2 =	srdreg.scid  }
0x5: {  	s16 =	simm.s32 $0x80;
	s17 =	simm.s32 $0x2800;
	s18 =	simm.s32 $0x6800  }
0x6: {  	s19 =	simm.s32 $0x1;
	s20 =	simm.s32 $0x2;
	s6 =	sand.u32 $0x1, s2  }
0x7: {  	s21 =	simm.s32 $0x2700;
	s2 =	stileid.u32;
	s7 =	smul.u32 $0x140000, s6  }
0x8: {  	s22 =	simm.s32 $0x2780;
	s23 =	simm.s32 $0x0;
	s8 =	smul.u32 $0x14000, s2  }
0x9: {  	[smem:$0x7FF] =	sst s3;
	s10 =	sadd.s32 $0x18000, s5;
	s11 =	smul.u32 $0x50000, s2  }
0xa: {  	s4 =	sadd.s32 $0x22000, s5;
	s26 =	ssub.s32 $0x2, s6;
	s6 =	smul.u32 $0x28000, s6  }
0xb: {  	_ =	strace $0x8000004A;
	s13 =	smul.u32 $0x2800, s2;
	s12 =	sshrl.u32 s26, $0x1  }
0xc: {  	s30 =	sshll.u32 s2, $0x6;
	s7 =	sadd.s32 s8, s7;
	s12 =	ssub.s32 s26, s12  }
0xd: {  	s28 =	sshrl.u32 s11, $0x2;
	s29 =	sadd.s32 s13, s6;
	s6 =	sor.u32 $0x1C03, s30  }
0xe: {  	s7 =	sshrl.u32 s7, $0x3;
	s15 =	sadd.s32 s28, s1;
	s31 =	sshrl.u32 s29, $0x3  }
0xf: {  	s12 =	smax.u32 s12, $0x1;
	s14 =	sadd.s32 s7, s5;
	s5 =	sadd.s32 s4, s29  }
0x10: {  	s7 =	sadd.s32 s9, s31;
	s8 =	sadd.s32 s10, s31;
	s11 =	sadd.s32 $0x280, s31  }
0x11: {  	s13 =	sshrl.u32 s15, $0x3;
	s15 =	simm.s32 $0x1400;
	s9 =	sadd.s32 s9, s11  }
0x12: {  	s10 =	sadd.s32 s10, s11;
	s11 =	sadd.s32 $0x72000, s14;
	s14 =	simm.s32 $0x3  }
.LBB2_1:
0x13: {  	[spmem:s13], [sflag:s6] =	dma.local [hbm:s5], $0x2800  }
0x14: {  	_ =	swait.ge [sflag:s14], $0x2800  }
0x15: {  	[sflag:s14] =	ssyncset.done $0x0  }
0x16: {  	[sflag:s14] =	ssyncadd.s32 $0xFFFFD800  }
0x17: {  	[bflag:$0x0] =	sbarrier.arrive $0xFFFF  }
0x18: {  	[tilespmem:s3], [sflag:$0x3] =	stream.linear.gather [hbm4b:s7+s3], $0x1400, $0x38;
	[tilespmem:$0x1E800] =	vst v63  }
0x19: {  	_ =	swait.ge [sflag:s14], $0x1400  }
0x1a: {  	[sflag:s14] =	ssyncset.done $0x0  }
0x1b: {  	[sflag:s14] =	ssyncadd.s32 $0xFFFFEC00  }
0x1c: {  	[tilespmem:s15], [sflag:$0x3] =	stream.linear.gather [hbm4b:s8+s3], $0x1400, $0x38;
	[tilespmem:$0x1E800] =	vst v63  }
0x1d: {  	_ =	swait.ge [sflag:s14], $0x1400  }
0x1e: {  	[sflag:s14] =	ssyncset.done $0x0  }
0x1f: {  	[sflag:s14] =	ssyncadd.s32 $0xFFFFEC00  }
0x20: {  	[tilespmem:s17], [sflag:$0x1] =	stream.indirect.gather [hbm4b:s4+s16], $0x80, s3, s16, $0xb8;
	[tilespmem:$0x1E800] =	vst v63  }
0x21: {  	_ = 	snop  }
0x22: {  	[tilespmem:s18], [sflag:$0x2] =	stream.indirect.gather [hbm4b:s4+s16], $0x80, s16, s16, $0xb8;
	[tilespmem:$0x1E800] =	vst v63  }
0x23: {  	_ =	swait.ge [sflag:s19], $0x4000  }
0x24: {  	[sflag:s19] =	ssyncset.done $0x0  }
0x25: {  	s24 =	simm.s32 $0x1400;
	[sflag:s19] =	ssyncadd.s32 $0xFFFFC000  }
0x26: {  	[spmem:s1] =	stream.indirect.scatter.add.f32 [tilespmem:s17], [sflag:$0x3], $0x80, s24, s16, $0xb8;
	[tilespmem:$0x1E800] =	vst v63  }
0x27: {  	_ =	swait.ge [sflag:s14], $0x4000  }
0x28: {  	[sflag:s14] =	ssyncset.done $0x0  }
0x29: {  	s30 =	simm.s32 $0x100;
	[sflag:s14] =	ssyncadd.s32 $0xFFFFC000  }
0x2a: {  	[tilespmem:s17], [sflag:$0x1] =	stream.indirect.gather [hbm4b:s4+s16], $0x80, s30, s16, $0xb8;
	[tilespmem:$0x1E800] =	vst v63  }
0x2b: {  	_ =	swait.ge [sflag:s20], $0x4000  }
0x2c: {  	[sflag:s20] =	ssyncset.done $0x0  }
0x2d: {  	s31 =	simm.s32 $0x1480;
	[sflag:s20] =	ssyncadd.s32 $0xFFFFC000  }
0x2e: {  	[spmem:s1] =	stream.indirect.scatter.add.f32 [tilespmem:s18], [sflag:$0x3], $0x80, s31, s16, $0xb8;
	[tilespmem:$0x1E800] =	vst v63  }
0x2f: {  	_ =	swait.ge [sflag:s14], $0x4000  }
0x30: {  	[sflag:s14] =	ssyncset.done $0x0  }
0x31: {  	s25 =	simm.s32 $0x180;
	s24 =	simm.s32 $0x400;
	[sflag:s14] =	ssyncadd.s32 $0xFFFFC000  }
.LBB2_2:
0x32: {  	[tilespmem:s18], [sflag:$0x2] =	stream.indirect.gather [hbm4b:s4+s16], $0x80, s25, s16, $0xb8;
	[tilespmem:$0x1E800] =	vst v63  }
0x33: {  	s25 =	smov.u32 s24  }
0x34: {  	p0 =	sne.s32 s24, $0x4800;
	s24 =	sadd.s32 $0x400, s24;
	_ =	swait.ge [sflag:s19], $0x4000  }
0x35: {  	s25 =	sshra.s32 s25, $0x2;
	[sflag:s19] =	ssyncset.done $0x0  }
0x36: {  	s26 =	sadd.s32 $0x1400, s25;
	[sflag:s19] =	ssyncadd.s32 $0xFFFFC000  }
0x37: {  	[spmem:s1] =	stream.indirect.scatter.add.f32 [tilespmem:s17], [sflag:$0x3], $0x80, s26, s16, $0xb8;
	[tilespmem:$0x1E800] =	vst v63  }
0x38: {  	_ =	swait.ge [sflag:s14], $0x4000  }
0x39: {  	[sflag:s14] =	ssyncset.done $0x0  }
0x3a: {  	s26 =	sadd.s32 $0x100, s25;
	[sflag:s14] =	ssyncadd.s32 $0xFFFFC000  }
0x3b: {  	[tilespmem:s17], [sflag:$0x1] =	stream.indirect.gather [hbm4b:s4+s16], $0x80, s26, s16, $0xb8;
	[tilespmem:$0x1E800] =	vst v63  }
0x3c: {  	_ =	swait.ge [sflag:s20], $0x4000  }
0x3d: {  	[sflag:s20] =	ssyncset.done $0x0  }
.Ltmp0:
0x3e: {  	s26 =	sadd.s32 $0x1480, s25;
	[sflag:s20] =	ssyncadd.s32 $0xFFFFC000;
	(pc) =	sbr.rel @p0 .LBB2_2-.Ltmp0, $4  }
0x3f: {  	[spmem:s1] =	stream.indirect.scatter.add.f32 [tilespmem:s18], [sflag:$0x3], $0x80, s26, s16, $0xb8;
	[tilespmem:$0x1E800] =	vst v63  }
0x40: {  	_ =	swait.ge [sflag:s14], $0x4000  }
0x41: {  	[sflag:s14] =	ssyncset.done $0x0  }
0x42: {  	s25 =	sadd.s32 $0x180, s25;
	[sflag:s14] =	ssyncadd.s32 $0xFFFFC000  }
0x43: {  	[tilespmem:s18], [sflag:$0x2] =	stream.indirect.gather [hbm4b:s4+s16], $0x80, s25, s16, $0xb8;
	[tilespmem:$0x1E800] =	vst v63  }
0x44: {  	_ =	swait.ge [sflag:s19], $0x4000  }
0x45: {  	[sflag:s19] =	ssyncset.done $0x0  }
0x46: {  	[sflag:s19] =	ssyncadd.s32 $0xFFFFC000  }
0x47: {  	[spmem:s1] =	stream.indirect.scatter.add.f32 [tilespmem:s17], [sflag:$0x3], $0x80, s21, s16, $0xb8;
	[tilespmem:$0x1E800] =	vst v63  }
0x48: {  	_ =	swait.ge [sflag:s14], $0x4000  }
0x49: {  	[sflag:s14] =	ssyncset.done $0x0  }
0x4a: {  	[sflag:s14] =	ssyncadd.s32 $0xFFFFC000  }
0x4b: {  	_ =	swait.ge [sflag:s20], $0x4000  }
0x4c: {  	[sflag:s20] =	ssyncset.done $0x0  }
0x4d: {  	[sflag:s20] =	ssyncadd.s32 $0xFFFFC000  }
0x4e: {  	[spmem:s1] =	stream.indirect.scatter.add.f32 [tilespmem:s18], [sflag:$0x3], $0x80, s22, s16, $0xb8;
	[tilespmem:$0x1E800] =	vst v63  }
0x4f: {  	_ =	swait.ge [sflag:s14], $0x4000  }
0x50: {  	[sflag:s14] =	ssyncset.done $0x0  }
0x51: {  	s24 =	simm.s32 $0x0;
	[sflag:s14] =	ssyncadd.s32 $0xFFFFC000  }
0x52: {  	[tilespmem:s24], [sflag:$0x3] =	stream.linear.gather [hbm4b:s9+s24], $0x1400, $0x38;
	[tilespmem:$0x1E800] =	vst v63  }
0x53: {  	_ =	swait.ge [sflag:s14], $0x1400  }
0x54: {  	[sflag:s14] =	ssyncset.done $0x0  }
0x55: {  	[sflag:s14] =	ssyncadd.s32 $0xFFFFEC00  }
0x56: {  	[tilespmem:s15], [sflag:$0x3] =	stream.linear.gather [hbm4b:s10+s24], $0x1400, $0x38;
	[tilespmem:$0x1E800] =	vst v63  }
0x57: {  	_ =	swait.ge [sflag:s14], $0x1400  }
0x58: {  	[sflag:s14] =	ssyncset.done $0x0  }
0x59: {  	[sflag:s14] =	ssyncadd.s32 $0xFFFFEC00  }
0x5a: {  	[tilespmem:s17], [sflag:$0x1] =	stream.indirect.gather [hbm4b:s4+s16], $0x80, s24, s16, $0xb8;
	[tilespmem:$0x1E800] =	vst v63  }
0x5b: {  	_ = 	snop  }
0x5c: {  	[tilespmem:s18], [sflag:$0x2] =	stream.indirect.gather [hbm4b:s4+s16], $0x80, s16, s16, $0xb8;
	[tilespmem:$0x1E800] =	vst v63  }
0x5d: {  	_ =	swait.ge [sflag:s19], $0x4000  }
0x5e: {  	[sflag:s19] =	ssyncset.done $0x0  }
0x5f: {  	s29 =	simm.s32 $0x1400;
	[sflag:s19] =	ssyncadd.s32 $0xFFFFC000  }
0x60: {  	[spmem:s1] =	stream.indirect.scatter.add.f32 [tilespmem:s17], [sflag:$0x3], $0x80, s29, s16, $0xb8;
	[tilespmem:$0x1E800] =	vst v63  }
0x61: {  	_ =	swait.ge [sflag:s14], $0x4000  }
0x62: {  	[sflag:s14] =	ssyncset.done $0x0  }
0x63: {  	s30 =	simm.s32 $0x100;
	[sflag:s14] =	ssyncadd.s32 $0xFFFFC000  }
0x64: {  	[tilespmem:s17], [sflag:$0x1] =	stream.indirect.gather [hbm4b:s4+s16], $0x80, s30, s16, $0xb8;
	[tilespmem:$0x1E800] =	vst v63  }
0x65: {  	_ =	swait.ge [sflag:s20], $0x4000  }
0x66: {  	[sflag:s20] =	ssyncset.done $0x0  }
0x67: {  	s31 =	simm.s32 $0x1480;
	[sflag:s20] =	ssyncadd.s32 $0xFFFFC000  }
0x68: {  	[spmem:s1] =	stream.indirect.scatter.add.f32 [tilespmem:s18], [sflag:$0x3], $0x80, s31, s16, $0xb8;
	[tilespmem:$0x1E800] =	vst v63  }
0x69: {  	_ =	swait.ge [sflag:s14], $0x4000  }
0x6a: {  	[sflag:s14] =	ssyncset.done $0x0  }
0x6b: {  	s25 =	simm.s32 $0x180;
	s24 =	simm.s32 $0x400;
	[sflag:s14] =	ssyncadd.s32 $0xFFFFC000  }
.LBB2_4:
0x6c: {  	[tilespmem:s18], [sflag:$0x2] =	stream.indirect.gather [hbm4b:s4+s16], $0x80, s25, s16, $0xb8;
	[tilespmem:$0x1E800] =	vst v63  }
0x6d: {  	s25 =	smov.u32 s24  }
0x6e: {  	p0 =	sne.s32 s24, $0x4800;
	s24 =	sadd.s32 $0x400, s24;
	_ =	swait.ge [sflag:s19], $0x4000  }
0x6f: {  	s25 =	sshra.s32 s25, $0x2;
	[sflag:s19] =	ssyncset.done $0x0  }
0x70: {  	s26 =	sadd.s32 $0x1400, s25;
	[sflag:s19] =	ssyncadd.s32 $0xFFFFC000  }
0x71: {  	[spmem:s1] =	stream.indirect.scatter.add.f32 [tilespmem:s17], [sflag:$0x3], $0x80, s26, s16, $0xb8;
	[tilespmem:$0x1E800] =	vst v63  }
0x72: {  	_ =	swait.ge [sflag:s14], $0x4000  }
0x73: {  	[sflag:s14] =	ssyncset.done $0x0  }
0x74: {  	s26 =	sadd.s32 $0x100, s25;
	[sflag:s14] =	ssyncadd.s32 $0xFFFFC000  }
0x75: {  	[tilespmem:s17], [sflag:$0x1] =	stream.indirect.gather [hbm4b:s4+s16], $0x80, s26, s16, $0xb8;
	[tilespmem:$0x1E800] =	vst v63  }
0x76: {  	_ =	swait.ge [sflag:s20], $0x4000  }
0x77: {  	[sflag:s20] =	ssyncset.done $0x0  }
.Ltmp1:
0x78: {  	s26 =	sadd.s32 $0x1480, s25;
	[sflag:s20] =	ssyncadd.s32 $0xFFFFC000;
	(pc) =	sbr.rel @p0 .LBB2_4-.Ltmp1, $4  }
0x79: {  	[spmem:s1] =	stream.indirect.scatter.add.f32 [tilespmem:s18], [sflag:$0x3], $0x80, s26, s16, $0xb8;
	[tilespmem:$0x1E800] =	vst v63  }
0x7a: {  	_ =	swait.ge [sflag:s14], $0x4000  }
0x7b: {  	[sflag:s14] =	ssyncset.done $0x0  }
0x7c: {  	s25 =	sadd.s32 $0x180, s25;
	[sflag:s14] =	ssyncadd.s32 $0xFFFFC000  }
0x7d: {  	[tilespmem:s18], [sflag:$0x2] =	stream.indirect.gather [hbm4b:s4+s16], $0x80, s25, s16, $0xb8;
	[tilespmem:$0x1E800] =	vst v63  }
0x7e: {  	_ =	swait.ge [sflag:s19], $0x4000  }
0x7f: {  	[sflag:s19] =	ssyncset.done $0x0  }
0x80: {  	[sflag:s19] =	ssyncadd.s32 $0xFFFFC000  }
0x81: {  	[spmem:s1] =	stream.indirect.scatter.add.f32 [tilespmem:s17], [sflag:$0x3], $0x80, s21, s16, $0xb8;
	[tilespmem:$0x1E800] =	vst v63  }
0x82: {  	_ =	swait.ge [sflag:s14], $0x4000  }
0x83: {  	[sflag:s14] =	ssyncset.done $0x0  }
0x84: {  	[sflag:s14] =	ssyncadd.s32 $0xFFFFC000  }
0x85: {  	_ =	swait.ge [sflag:s20], $0x4000  }
0x86: {  	[sflag:s20] =	ssyncset.done $0x0  }
0x87: {  	[sflag:s20] =	ssyncadd.s32 $0xFFFFC000  }
0x88: {  	[spmem:s1] =	stream.indirect.scatter.add.f32 [tilespmem:s18], [sflag:$0x3], $0x80, s22, s16, $0xb8;
	[tilespmem:$0x1E800] =	vst v63  }
0x89: {  	_ =	swait.ge [sflag:s14], $0x4000  }
0x8a: {  	s23 =	sadd.s32 $0x1, s23;
	[sflag:s14] =	ssyncset.done $0x0  }
0x8b: {  	p0 =	sne.s32 s23, s12;
	[sflag:s14] =	ssyncadd.s32 $0xFFFFC000  }
.Ltmp2:
0x8c: {  	[bflag:$0x0] =	sbarrier.arrive $0xFFFF;
	(pc) =	sbr.rel @p0 .LBB2_1-.Ltmp2, $4  }
0x8d: {  	[hbm:s11], [sflag:s6] =	dma.local [spmem:s13], $0x2800  }
0x8e: {  	_ =	swait.ge [sflag:s14], $0x2800  }
0x8f: {  	[sflag:s14] =	ssyncset.done $0x0  }
0x90: {  	[sflag:s14] =	ssyncadd.s32 $0xFFFFD800  }
0x91: {  	_ =	sfence.sel $0x180000  }
0x92: {  	[bflag:$0x0] =	sbarrier.arrive $0xFFFF  }
0x93: {  	p0 =	sne.s32 s2, $0x0;
	_ =	strace $0x9000004A  }
0x94: {  	s0 =	sadd.s32 @!p0 $0x100000, s0;
	[bflag:$0x2] =	sbarrier.arrive $0xFFFF  }
0x95: {  	[sflag:s0] =	ssyncadd.tile.s32 @!p0 $0x1;
	_ =	shalt  }
.Lfunc_end2:
_tile_overlayer_lowered:
.L_overlay_start_2:
0x96: {  	(tag) =	ssettag $0x2  }
0x97: {  	s0 =	rddreg [dreg:$0x0];
	s2 =	stileid.u32  }
0x98: {  	s1 =	rddreg [dreg:$0x1];
	p0 =	sne.s32 s2, $0x0  }
0x99: {  	s3 =	rddreg [dreg:$0x2];
	[bflag:$0x3] =	sbarrier.arrive $0xFFFF;
	s2 =	simm.s32 @!p0 $0x1C03  }
0x9a: {  	[timem:s3], [sflag:s2] =	dma.local @!p0 [hbm:s0], s1  }
0x9b: {  	s0 =	simm.s32 @!p0 $0x3  }
0x9c: {  	_ =	swait.ge @!p0 [sflag:s0], s1  }
0x9d: {  	s1 =	ssub.s32 @!p0 $0x0, s1;
	[sflag:s0] =	ssyncset.done @!p0 $0x0  }
0x9e: {  	[sflag:s0] =	ssyncadd.s32 @!p0 s1  }
0x9f: {  	[bflag:$0x3] =	sbarrier.arrive $0xFFFF  }
0xa0: {  	_ =	shalt  }

// kernel: kernel.7.cloned.1.call-start
scs
__scs_entry_jumppad:
0x0: {  	(pc) =	sbr.rel $0x88, $3  }
0x1: {  	(tag) =	ssettag $0x0;
	lr =	simm.s32 $0x1  }
0x2: {  	[smem:$0x3F8B] =	sst lr;
	_ =	strace $0xD0000000  }
0x3: {  	_ = 	snop  }
0x4: {  	_ = 	snop  }
0x5: {  	_ = 	snop  }
0x6: {  	_ = 	snop  }
0x7: {  	_ = 	snop  }
__scs_overlays_trampoline_lowered:
0x8: {  	[smem:$0x3F9A] =	sst s0  }
0x9: {  	[smem:$0x3F9B] =	sst s1  }
0xa: {  	[smem:$0x3F9C] =	sst s2  }
0xb: {  	[smem:$0x3F9D] =	sst s3  }
0xc: {  	[smem:$0x3F9E] =	sst s4  }
0xd: {  	[smem:$0x3F9F] =	sst s5  }
0xe: {  	[smem:$0x3FA0] =	sst s6  }
0xf: {  	[smem:$0x3FA1] =	sst s7  }
0x10: {  	[smem:$0x3FA2] =	sst s8  }
0x11: {  	[smem:$0x3FA3] =	sst s9;
	s0 =	simm.s32 @!p0 $0x0  }
0x12: {  	s1 =	sld [smem:$0x3F89];
	s0 =	simm.s32 @p0 $0x1  }
0x13: {  	[smem:$0x3FA4] =	sst s0;
	s0 =	simm.s32 @!p1 $0x0  }
0x14: {  	s2 =	sld [smem:$0x3F88];
	s0 =	simm.s32 @p1 $0x1  }
0x15: {  	[smem:$0x3FA5] =	sst s0;
	s0 =	simm.s32 @!p2 $0x0  }
0x16: {  	s3 =	sld [smem:$0x3FDB];
	s0 =	simm.s32 @p2 $0x1  }
0x17: {  	s4 =	simm.s32 $0x1BF5;
	[smem:$0x3FA7] =	sst s0  }
0x18: {  	s0 =	sld [smem:$0x3F8A];
	_ =	swait.ge [sflag:s4], $0x0  }
0x19: {  	s7 =	sld [smem:$0x3F8B]  }
0x1a: {  	s8 =	sadd.s32 $0xFFFFE003, lr  }
0x1b: {  	s9 =	sadd.s32 $0xFFFFFEF7, lr;
	s5 =	simm.s32 $0xFFFFFFFF;
	p2 =	slt.u32 s8, $0xFFFFF086  }
0x1c: {  	p1 =	slt.u32 s9, $0xF7A;
	s5 =	simm.s32 @!p2 $0x0  }
0x1d: {  	s5 =	simm.s32 @p1 $0x1;
	p0 =	seq.s32 s7, s2  }
0x1e: {  	s7 =	smul.u32 @!p0 $0xF7A, s2;
	p2 =	seq.s32 @!p0 s5, $0x0  }
0x1f: {  	s9 =	smul.u32 $0xF7A, s1;
	s8 =	simm.s32 @!p0 $0x1BF5;
	p2 =	por !p2, p0  }
0x20: {  	[sflag:s8] =	ssyncset.s32 @!p0 $0xFFFFF086;
	s6 =	sadd.s32 @!p0 s3, s7;
	s7 =	simm.s32 @!p0 $0x108  }
0x21: {  	s3 =	sadd.s32 s3, s9;
	s6 =	sadd.s32 @!p0 $0x88, s6;
	s7 =	simm.s32 @p2 $0x1082  }
0x22: {  	[simem:s7], [sflag:s8] =	dma.local @!p0 [hbm:s6], $0xF7A  }
0x23: {  	s9 =	sor.u32 $0xD0000000, s2;
	s6 =	simm.s32 $0x108;
	_ =	swait.ge @!p0 [sflag:s8], $0x0  }
0x24: {  	s3 =	sadd.s32 $0x88, s3;
	s6 =	simm.s32 @!p1 $0x1082;
	[sflag:s4] =	ssyncset.s32 $0xFFFFF086  }
0x25: {  	[simem:s6], [sflag:s4] =	dma.local [hbm:s3], $0xF7A  }
0x26: {  	[smem:$0x3F8B] =	sst s1;
	(tag) =	ssettag s2;
	_ =	strace s9  }
0x27: {  	s1 =	sld [smem:$0x3F9B]  }
0x28: {  	s2 =	sld [smem:$0x3F9C]  }
0x29: {  	s4 =	sld [smem:$0x3F9E]  }
0x2a: {  	p0 =	seq.s32 s5, $0x0;
	s5 =	sld [smem:$0x3F9F]  }
0x2b: {  	s6 =	sld [smem:$0x3FA0]  }
0x2c: {  	s7 =	sld [smem:$0x3FA1]  }
0x2d: {  	s3 =	simm.s32 $0x108;
	s8 =	sld [smem:$0x3FA2]  }
0x2e: {  	s3 =	simm.s32 @!p0 $0x1082;
	s9 =	sld [smem:$0x3FA3]  }
0x2f: {  	lr =	sadd.s32 s0, s3;
	s0 =	sld [smem:$0x3F9A]  }
0x30: {  	s3 =	sld [smem:$0x3F9D]  }
0x31: {  	[smem:$0x3FA6] =	sst s10  }
0x32: {  	s10 =	sld [smem:$0x3FA4];
	_ =	sdelay $0x3  }
0x33: {  	p0 =	seq.s32 s10, $0x1;
	s10 =	sld [smem:$0x3FA6];
	_ =	sdelay $0x3  }
0x34: {  	[smem:$0x3FA6] =	sst s10  }
0x35: {  	s10 =	sld [smem:$0x3FA5];
	_ =	sdelay $0x3  }
0x36: {  	p1 =	seq.s32 s10, $0x1;
	s10 =	sld [smem:$0x3FA6];
	_ =	sdelay $0x3  }
0x37: {  	[smem:$0x3FA6] =	sst s10  }
0x38: {  	s10 =	sld [smem:$0x3FA7]  }
0x39: {  	_ = 	snop;
	(pc) =	sbr.ind lr, $3  }
0x3a: {  	_ = 	snop  }
0x3b: {  	_ = 	snop  }
0x3c: {  	p2 =	seq.s32 s10, $0x1;
	s10 =	sld [smem:$0x3FA6]  }
0x3d: {  	_ =	shalt  }
0x3e: {  	_ =	shalt  }
0x3f: {  	_ =	shalt  }
0x40: {  	_ =	shalt  }
0x41: {  	_ =	shalt  }
0x42: {  	_ =	shalt  }
0x43: {  	_ =	shalt  }
0x44: {  	_ =	shalt  }
0x45: {  	_ =	shalt  }
0x46: {  	_ =	shalt  }
0x47: {  	_ =	shalt  }
0x48: {  	_ =	shalt  }
0x49: {  	_ =	shalt  }
0x4a: {  	_ =	shalt  }
0x4b: {  	_ =	shalt  }
0x4c: {  	_ =	shalt  }
0x4d: {  	_ =	shalt  }
0x4e: {  	_ =	shalt  }
0x4f: {  	_ =	shalt  }
0x50: {  	_ =	shalt  }
0x51: {  	_ =	shalt  }
0x52: {  	_ =	shalt  }
0x53: {  	_ =	shalt  }
0x54: {  	_ =	shalt  }
0x55: {  	_ =	shalt  }
0x56: {  	_ =	shalt  }
0x57: {  	_ =	shalt  }
0x58: {  	_ =	shalt  }
0x59: {  	_ =	shalt  }
0x5a: {  	_ =	shalt  }
0x5b: {  	_ =	shalt  }
0x5c: {  	_ =	shalt  }
0x5d: {  	_ =	shalt  }
0x5e: {  	_ =	shalt  }
0x5f: {  	_ =	shalt  }
0x60: {  	_ =	shalt  }
0x61: {  	_ =	shalt  }
0x62: {  	_ =	shalt  }
0x63: {  	_ =	shalt  }
0x64: {  	_ =	shalt  }
0x65: {  	_ =	shalt  }
0x66: {  	_ =	shalt  }
0x67: {  	_ =	shalt  }
0x68: {  	_ =	shalt  }
0x69: {  	_ =	shalt  }
0x6a: {  	_ =	shalt  }
0x6b: {  	_ =	shalt  }
0x6c: {  	_ =	shalt  }
0x6d: {  	_ =	shalt  }
0x6e: {  	_ =	shalt  }
0x6f: {  	_ =	shalt  }
0x70: {  	_ =	shalt  }
0x71: {  	_ =	shalt  }
0x72: {  	_ =	shalt  }
0x73: {  	_ =	shalt  }
0x74: {  	_ =	shalt  }
0x75: {  	_ =	shalt  }
0x76: {  	_ =	shalt  }
0x77: {  	_ =	shalt  }
0x78: {  	_ =	shalt  }
0x79: {  	_ =	shalt  }
0x7a: {  	_ =	shalt  }
0x7b: {  	_ =	shalt  }
0x7c: {  	_ =	shalt  }
0x7d: {  	_ =	shalt  }
0x7e: {  	_ =	shalt  }
0x7f: {  	_ =	shalt  }
0x80: {  	_ =	shalt  }
0x81: {  	_ =	shalt  }
0x82: {  	_ =	shalt  }
0x83: {  	_ =	shalt  }
0x84: {  	_ =	shalt  }
0x85: {  	_ =	shalt  }
0x86: {  	_ =	shalt  }
0x87: {  	_ =	shalt  }
.Lfunc_end0:
.L_simem_size_0:
called_computation_lowered:
.L_overlay_start_0:
0x88: {  	s2 =	sld [smem:$0x3FD9]  }
0x89: {  	s3 =	sld [smem:$0x3FFE];
	_ =	sdelay $0x1  }
0x8a: {  	s1 =	srdreg.scid  }
0x8b: {  	s0 =	sand.u32 $0x1, s1  }
0x8c: {  	s16 =	sshll.u32 s0, $0xA;
	s2 =	sadd.s32 s3, s2  }
0x8d: {  	s2 =	sadd.s32 s2, s16  }
0x8e: {  	[smem:$0x3FB2] =	sst s2  }
0x8f: {  	_ = 	snop  }
0x90: {  	(tm) =	ssettm $0x1  }
0x91: {  	s17 =	sld [smem:$0x3FFB];
	_ =	sdelay $0x3  }
0x92: {  	_ =	strace s17  }
0x93: {  	s2 =	sld [smem:$0x3FFC];
	_ =	sdelay $0x3  }
0x94: {  	_ =	strace s2  }
0x95: {  	s2 =	sld [smem:$0x3FFD];
	_ =	sdelay $0x3  }
0x96: {  	_ =	strace s2  }
0x97: {  	_ =	strace $0x8FFFFFFF  }
0x98: {  	s18 =	sld [smem:$0x3FDB];
	_ =	sdelay $0x1  }
0x99: {  	s19 =	simm.s32 $_scs_section_size  }
0x9a: {  	s4 =	simm.s32 $_size__tile_overlayer_lowered;
	s5 =	simm.s32 $_tile_overlayer_lowered  }
0x9b: {  	s22 =	simm.s32 $0x1BFF;
	s21 =	sshll.u32 s5, $0x1;
	s2 =	sadd.s32 s19, s18  }
0x9c: {  	s6 =	simm.s32 $0x0;
	s20 =	sshll.u32 s4, $0x1;
	s4 =	sadd.s32 s21, s2  }
0x9d: {  	[timem:s6], [sflag:s22] =	dma.local [hbm:s4], s20  }
0x9e: {  	_ =	swait.ge [sflag:s22], s20  }
0x9f: {  	s3 =	ssub.s32 $0x0, s20;
	[sflag:s22] =	ssyncset.done $0x0  }
0xa0: {  	[sflag:s22] =	ssyncadd.s32 s3;
	_ =	sdelay $0x1  }
0xa1: {  	s23 =	simm.s32 $0x1B8B  }
0xa2: {  	_ =	swait.ge [sflag:s23], $0x1  }
0xa3: {  	[sflag:s23] =	ssyncset.done $0x0  }
0xa4: {  	s25 =	simm.s32 $0x1B8E;
	s24 =	sld [smem:$0x3FFE];
	[sflag:s23] =	ssyncadd.s32 $0xFFFFFFFF  }
0xa5: {  	s26 =	simm.s32 $execute0_lowered;
	[smem:$0x3FD2] =	sst s25  }
0xa6: {  	s4 =	sshll.u32 s26, $0x1;
	_ =	strace $0x80000046;
	[dreg:$0x1] =	wrdreg $0xFFFFFFFF  }
0xa7: {  	s28 =	simm.s32 $_size_execute0_lowered;
	s2 =	sadd.s32 s2, s4;
	[dreg:$0x0] =	wrdreg $0x0  }
0xa8: {  	s4 =	sshll.u32 s28, $0x1;
	[dreg:$0x2] =	wrdreg s2  }
0xa9: {  	[dreg:$0x3] =	wrdreg s4  }
0xaa: {  	[dreg:$0x4] =	wrdreg $0xC0  }
0xab: {  	_ =	task [dreg:s6], $0x5FFFF  }
0xac: {  	[dreg:$0x1] =	wrdreg $0xFFFFFFFF  }
0xad: {  	[dreg:$0x0] =	wrdreg $0x60  }
0xae: {  	[dreg:$0x2] =	wrdreg s24  }
0xaf: {  	[dreg:$0x3] =	wrdreg $0x9  }
0xb0: {  	_ =	task.clear_ibuf [dreg:s6], $0x4FFFF;
	_ =	strace $0x90000046  }
0xb1: {  	s29 =	simm.s32 $0x9;
	_ =	strace $0x80000048  }
0xb2: {  	_ =	swait.ge [sflag:s29], $0x1  }
0xb3: {  	[sflag:s29] =	ssyncadd.s32 $0xFFFFFFFF  }
0xb4: {  	_ =	strace $0x90000048  }
0xb5: {  	_ =	sfence  }
0xb6: {  	s30 =	sld [smem:$0x0];
	_ =	sdelay $0x2  }
0xb7: {  	s31 =	sshll.u32 s1, $0xD;
	s1 =	sshrl.u32 s1, $0x2  }
0xb8: {  	s3 =	sand.u32 $0x4000, s31;
	s1 =	sadd.s32 s1, s30  }
0xb9: {  	s0 =	sor.u32 s3, s0;
	s1 =	sshll.u32 s1, $0x11  }
0xba: {  	s0 =	sor.u32 s1, s0  }
0xbb: {  	s0 =	sadd.s32 $0x8F2B, s0  }
0xbc: {  	[sflag:s0] =	ssyncadd.remote.s32 $0x1  }
0xbd: {  	_ =	sfence.sel $0xFFFF  }
0xbe: {  	[dreg:$0x0] =	wrdreg $0xFFFFFFFF;
	(pc) =	sbr.abs _section_cstart, $3  }
0xbf: {  	[dreg:$0x1] =	wrdreg $0xFFFFFFFF  }
0xc0: {  	_ =	task.clear_ibuf [dreg:s6], $0x2FFFF;
	_ =	strace $0x9FFFFFFF  }
0xc1: {  	(tm) =	ssettm $0x7FFFFFFF  }
tec
execute0_lowered:
.L_overlay_start_1:
0x0: {  	(tag) =	ssettag $0x1  }
0x1: {  	s0 =	srdreg.scid  }
0x2: {  	s5 =	rddreg [dreg:$0x0];
	s3 =	sand.u32 $0x1, s0  }
0x3: {  	s2 =	simm.s32 $0x0;
	s0 =	stileid.u32;
	s1 =	sshll.u32 s3, $0x4  }
0x4: {  	s8 =	simm.s32 $0x80;
	s9 =	simm.s32 $0x400;
	s4 =	sor.u32 s0, s1  }
0x5: {  	s10 =	simm.s32 $0x0;
	[smem:$0x7FF] =	sst s2;
	s1 =	sshrl.u32 s4, $0x3  }
0x6: {  	s7 =	sshll.u32 s0, $0x7;
	s3 =	ssub.s32 $0x2, s3;
	s6 =	smul.u32 $0x14000, s1  }
0x7: {  	s7 =	sand.u32 $0x380, s7;
	s31 =	sshrl.u32 s3, $0x1;
	s4 =	smul.u32 $0x500, s4  }
0x8: {  	s1 =	rddreg [dreg:$0x1];
	_ =	strace $0x80000047;
	s6 =	sor.u32 s7, s6  }
0x9: {  	s4 =	sadd.s32 s4, s5;
	s7 =	simm.s32 $0x2800;
	s6 =	sshrl.u32 s6, $0x3  }
0xa: {  	s5 =	sadd.s32 s6, s5;
	s6 =	ssub.s32 s3, s31;
	s3 =	sadd.s32 $0x4000, s4  }
0xb: {  	v0 =	vimm.f32 $0.0e+00;
	v1 =	vimm.f32 $1.000000000e+00;
	s4 =	sadd.s32 $0xE000, s5;
	s5 =	smax.u32 s6, $0x1;
	s6 =	simm.s32 $0x1  }
.LBB2_1:
0xc: {  	[tilespmem:s2], [sflag:$0x1] =	stream.linear.gather [hbm4b:s3+s2], $0x2800, $0x38;
	[tilespmem:$0x5000] =	vst v63  }
0xd: {  	_ =	swait.ge [sflag:s6], $0x2800  }
0xe: {  	[sflag:s6] =	ssyncset.done $0x0  }
0xf: {  	s11 =	simm.s32 $0x0;
	[sflag:s6] =	ssyncadd.s32 $0xFFFFD800  }
.LBB2_2:
0x10: {  	p0 =	sne.s32 s11, $0x9FC0  }
.Ltmp0:
0x11: {  	_ = 	snop;
	(pc) =	sbr.rel @p0 .LBB2_2-.Ltmp0, $3  }
0x12: {  	_ =	sdelay $0x1  }
0x13: {  	s12 =	sshra.s32 s11, $0x2  }
0x14: {  	s11 =	sadd.s32 $0x40, s11;
	[tilespmem:s12+$0x2800] =	vst v0  }
0x15: {  	s11 =	simm.s32 $0x0  }
.LBB2_4:
0x16: {  	s12 =	sshra.s32 s11, $0x2  }
0x17: {  	v2 =	vld [tilespmem:s12+$0x0];
	_ =	sdelay $0x7  }
0x18: {  	[tilespmem:v2+s7+$0x0] =	vst.idx.add.f32.msk $0xffff, v1  }
0x19: {  	v2 =	vld [tilespmem:s12+$0x10];
	_ =	sdelay $0x7  }
0x1a: {  	[tilespmem:v2+s7+$0x0] =	vst.idx.add.f32.msk $0xffff, v1  }
0x1b: {  	v2 =	vld [tilespmem:s12+$0x20];
	_ =	sdelay $0x7  }
0x1c: {  	[tilespmem:v2+s7+$0x0] =	vst.idx.add.f32.msk $0xffff, v1  }
0x1d: {  	v2 =	vld [tilespmem:s12+$0x30];
	_ =	sdelay $0x7  }
0x1e: {  	[tilespmem:v2+s7+$0x0] =	vst.idx.add.f32.msk $0xffff, v1  }
0x1f: {  	v2 =	vld [tilespmem:s12+$0x40];
	_ =	sdelay $0x7  }
0x20: {  	[tilespmem:v2+s7+$0x0] =	vst.idx.add.f32.msk $0xffff, v1  }
0x21: {  	v2 =	vld [tilespmem:s12+$0x50];
	_ =	sdelay $0x7  }
0x22: {  	[tilespmem:v2+s7+$0x0] =	vst.idx.add.f32.msk $0xffff, v1  }
0x23: {  	v2 =	vld [tilespmem:s12+$0x60];
	_ =	sdelay $0x7  }
0x24: {  	[tilespmem:v2+s7+$0x0] =	vst.idx.add.f32.msk $0xffff, v1  }
0x25: {  	v2 =	vld [tilespmem:s12+$0x70];
	_ =	sdelay $0x2  }
0x26: {  	p0 =	sne.s32 s11, $0x9E00  }
.Ltmp1:
0x27: {  	_ = 	snop;
	(pc) =	sbr.rel @p0 .LBB2_4-.Ltmp1, $2  }
0x28: {  	_ =	sdelay $0x2  }
0x29: {  	s11 =	sadd.s32 $0x200, s11;
	[tilespmem:v2+s7+$0x0] =	vst.idx.add.f32.msk $0xffff, v1  }
0x2a: {  	s10 =	sadd.s32 $0x1, s10  }
0x2b: {  	p0 =	sne.s32 s10, s5  }
.Ltmp2:
0x2c: {  	_ = 	snop;
	(pc) =	sbr.rel @p0 .LBB2_1-.Ltmp2, $4  }
0x2d: {  	[hbm4b:s4+s8] =	stream.strided.scatter [tilespmem:s7], [sflag:$0x1], $0x2800, s9, s8, $0x38;
	[tilespmem:$0x5000] =	vst v63  }
0x2e: {  	_ =	swait.ge [sflag:s6], $0x2800  }
0x2f: {  	[sflag:s6] =	ssyncset.done $0x0  }
0x30: {  	[sflag:s6] =	ssyncadd.s32 $0xFFFFD800  }
0x31: {  	_ =	sfence.sel $0x180000  }
0x32: {  	[bflag:$0x0] =	sbarrier.arrive $0xFFFF  }
0x33: {  	p0 =	sne.s32 s0, $0x0;
	_ =	strace $0x90000047  }
0x34: {  	s0 =	sadd.s32 @!p0 $0x100000, s1;
	[bflag:$0x2] =	sbarrier.arrive $0xFFFF  }
0x35: {  	[sflag:s0] =	ssyncadd.tile.s32 @!p0 $0x1;
	_ =	shalt  }
.Lfunc_end2:
_tile_overlayer_lowered:
.L_overlay_start_2:
0x36: {  	(tag) =	ssettag $0x2  }
0x37: {  	s0 =	rddreg [dreg:$0x0];
	s2 =	stileid.u32  }
0x38: {  	s1 =	rddreg [dreg:$0x1];
	p0 =	sne.s32 s2, $0x0  }
0x39: {  	s3 =	rddreg [dreg:$0x2];
	[bflag:$0x3] =	sbarrier.arrive $0xFFFF;
	s2 =	simm.s32 @!p0 $0x1C01  }
0x3a: {  	[timem:s3], [sflag:s2] =	dma.local @!p0 [hbm:s0], s1  }
0x3b: {  	s0 =	simm.s32 @!p0 $0x1  }
0x3c: {  	_ =	swait.ge @!p0 [sflag:s0], s1  }
0x3d: {  	s1 =	ssub.s32 @!p0 $0x0, s1;
	[sflag:s0] =	ssyncset.done @!p0 $0x0  }
0x3e: {  	[sflag:s0] =	ssyncadd.s32 @!p0 s1  }
0x3f: {  	[bflag:$0x3] =	sbarrier.arrive $0xFFFF  }
0x40: {  	_ =	shalt  }

</sc_bundles>
